<compile_context>
chip_gen: v7x
topology: tpu7x:2x2x1
jax: 0.10.2.dev20260603
libtpu: 0.0.44.dev20260713+nightly
codegen_flags: <defaults>
</compile_context>

<pallas_src>
import functools

import jax
import jax.numpy as jnp
from jax import lax
from jax.experimental import pallas as pl
from jax.experimental.pallas import tpu as pltpu
from jax.experimental.pallas import tpu_sc as plsc

H = 16
HD = 64
VD = 64
SCALE = HD ** -0.5
LOG2E = 1.4426950408889634
C2 = SCALE * LOG2E
QT = 4


def _dot(a, b, dims):
    return jax.lax.dot_general(a, b, (dims, ((), ())),
                               preferred_element_type=jnp.float32)


def _proj_kernel(x_ref, w_ref, q_ref, kv_ref, wg_ref):
    o = _dot(x_ref[...], w_ref[...], ((1,), (1,)))
    d = H * HD
    for h in range(H):
        q_ref[h] = o[:, h * HD:(h + 1) * HD]
        kv_ref[h, :, :HD] = o[:, d + h * HD:d + (h + 1) * HD]
        kv_ref[h, :, HD:] = o[:, 2 * d + h * VD:2 * d + (h + 1) * VD]
    kv_ref[H] = jnp.zeros_like(kv_ref[H])
    wg_ref[...] = o[:, 3 * d:]


def _head_kernel(q_ref, kv_ref, o1_ref, ix_ref):
    h = pl.program_id(0)
    k = kv_ref[0, :, :HD]
    v = kv_ref[0, :, HD:]
    n = k.shape[0]
    tn = n // QT
    rt = tn // (n // 8)
    for t in range(QT):
        q = q_ref[0, t * tn:(t + 1) * tn]

        p = _dot(q, k, ((1,), (1,)))

        m1 = jnp.max(p, axis=1, keepdims=True)
        e1 = jnp.exp2(p * C2 - m1 * C2)
        s1 = jnp.sum(e1, axis=1, keepdims=True)
        o1_ref[0, t * tn:(t + 1) * tn] = _dot(e1, v, ((1,), (0,))) / s1

        iota = jax.lax.broadcasted_iota(jnp.int32, p.shape, 1)
        idx = jnp.min(jnp.where(p == m1, iota, 2 * n), axis=1, keepdims=True)
        valid = m1 > 0.0
        ix = jnp.where(valid, h * n + idx, H * n)
        ix_ref[0, t * rt:(t + 1) * rt] = ix.reshape(rt, n // 8)


def _branch2_kernel(q_ref, kvm_ref, o2_ref):
    km = kvm_ref[0, :, :HD]
    vm = kvm_ref[0, :, HD:]
    n = km.shape[0]
    tn = n // QT
    for t in range(QT):
        q = q_ref[0, t * tn:(t + 1) * tn]
        p2 = _dot(q, km, ((1,), (1,)))
        m2 = jnp.max(p2, axis=1, keepdims=True)
        e2 = jnp.exp2(p2 * C2 - m2 * C2)
        s2 = jnp.sum(e2, axis=1, keepdims=True)
        o2_ref[0, t * tn:(t + 1) * tn] = _dot(e2, vm, ((1,), (0,))) / s2


def _combine_kernel(o1_ref, o2_ref, wg_ref, wout_ref, bout_ref, out_ref):
    a1 = _dot(o1_ref[0], wout_ref[0], ((1,), (0,)))
    a2 = _dot(o2_ref[0], wout_ref[0], ((1,), (0,)))
    for h in range(1, H):
        a1 = a1 + _dot(o1_ref[h], wout_ref[h], ((1,), (0,)))
        a2 = a2 + _dot(o2_ref[h], wout_ref[h], ((1,), (0,)))
    g = jax.nn.sigmoid(wg_ref[...])
    out_ref[...] = g * (a1 - a2) + a2 + bout_ref[...]


def _sc_gather(table, ix):
    info = plsc.get_sparse_core_info()
    nw = info.num_cores * info.num_subcores
    btot = ix.shape[0]
    bw = btot // nw
    nchunk = 2
    bc = bw // nchunk
    d = table.shape[1]
    mesh = plsc.VectorSubcoreMesh(core_axis_name="c", subcore_axis_name="s")

    @functools.partial(
        pl.kernel,
        out_type=jax.ShapeDtypeStruct((btot, d), jnp.float32),
        mesh=mesh,
        scratch_types=[
            pltpu.VMEM((bc,), jnp.int32),
            pltpu.VMEM((bc, d), jnp.float32),
            pltpu.SemaphoreType.DMA,
        ],
    )
    def gather_kernel(table_hbm, ix_hbm, kvm_hbm, idx_v, rows_v, sem):
        wid = lax.axis_index("s") * info.num_cores + lax.axis_index("c")
        for c in range(nchunk):
            base = wid * bw + c * bc
            pltpu.sync_copy(ix_hbm.at[pl.ds(base, bc)], idx_v)
            pltpu.async_copy(table_hbm.at[idx_v], rows_v, sem).wait()
            pltpu.sync_copy(rows_v, kvm_hbm.at[pl.ds(base, bc)])

    return gather_kernel(table, ix)


@jax.jit
def kernel(x, Wq, Wk, Wv, Ww, Wout, bout):
    b, n, d_in = x.shape
    d_out = Wout.shape[0]
    x2 = x.reshape(n, d_in)

    wcat = jnp.concatenate([Wq, Wk, Wv, Ww], axis=0)
    nt = 8
    q3, kv2, wg = pl.pallas_call(
        _proj_kernel,
        grid=(nt,),
        in_specs=[
            pl.BlockSpec((n // nt, d_in), lambda i: (i, 0)),
            pl.BlockSpec((4 * d_in, d_in), lambda i: (0, 0)),
        ],
        out_specs=[
            pl.BlockSpec((H, n // nt, HD), lambda i: (0, i, 0)),
            pl.BlockSpec((H + 1, n // nt, HD + VD), lambda i: (0, i, 0)),
            pl.BlockSpec((n // nt, d_in), lambda i: (i, 0)),
        ],
        out_shape=[
            jax.ShapeDtypeStruct((H, n, HD), jnp.float32),
            jax.ShapeDtypeStruct((H + 1, n, HD + VD), jnp.float32),
            jax.ShapeDtypeStruct((n, d_in), jnp.float32),
        ],
    )(x2, wcat)

    o1h, ix3 = pl.pallas_call(
        _head_kernel,
        grid=(H,),
        in_specs=[
            pl.BlockSpec((1, n, HD), lambda h: (h, 0, 0)),
            pl.BlockSpec((1, n, HD + VD), lambda h: (h, 0, 0)),
        ],
        out_specs=[
            pl.BlockSpec((1, n, VD), lambda h: (h, 0, 0)),
            pl.BlockSpec((1, 8, n // 8), lambda h: (h, 0, 0)),
        ],
        out_shape=[
            jax.ShapeDtypeStruct((H, n, VD), jnp.float32),
            jax.ShapeDtypeStruct((H, 8, n // 8), jnp.int32),
        ],
    )(q3, kv2)

    table = kv2.reshape((H + 1) * n, HD + VD)
    kvm = _sc_gather(table, ix3.reshape(H * n)).reshape(H, n, HD + VD)

    o2h = pl.pallas_call(
        _branch2_kernel,
        grid=(H,),
        in_specs=[
            pl.BlockSpec((1, n, HD), lambda h: (h, 0, 0)),
            pl.BlockSpec((1, n, HD + VD), lambda h: (h, 0, 0)),
        ],
        out_specs=pl.BlockSpec((1, n, VD), lambda h: (h, 0, 0)),
        out_shape=jax.ShapeDtypeStruct((H, n, VD), jnp.float32),
    )(q3, kvm)

    wout3 = Wout.T.reshape(H, VD, d_out)
    out = pl.pallas_call(
        _combine_kernel,
        grid=(nt,),
        in_specs=[
            pl.BlockSpec((H, n // nt, VD), lambda i: (0, i, 0)),
            pl.BlockSpec((H, n // nt, VD), lambda i: (0, i, 0)),
            pl.BlockSpec((n // nt, d_in), lambda i: (i, 0)),
            pl.BlockSpec((H, VD, d_out), lambda i: (0, 0, 0)),
            pl.BlockSpec((d_out,), lambda i: (0,)),
        ],
        out_specs=pl.BlockSpec((n // nt, d_out), lambda i: (i, 0)),
        out_shape=jax.ShapeDtypeStruct((n, d_out), jnp.float32),
    )(o1h, o2h, wg, wout3, bout)

    return out.reshape(b, n, d_out)

# --- scband reference (transcript-rebuilt; emitter-appended) ---
"""Pipeline reference for scband-mablock-40630390621012 (READ-ONLY COPY).

The authoritative reference and input builder live on the scoring server;
editing this copy changes nothing except your own understanding.
"""

import jax, jax.numpy as jnp
import numpy as np

B, N, D_IN, D_OUT, H, M_SIZE, IPQ = 1, 2048, 1024, 1024, 16, 65536, 1
HD = D_IN // H
VD = D_OUT // H
SCALE = HD ** -0.5


def setup_inputs(seed: int = 0) -> dict:
    key = jax.random.key(seed)
    ks = jax.random.split(key, 7)
    x = jax.random.normal(ks[0], (B, N, D_IN), dtype=jnp.float32)
    Wq = jax.random.normal(ks[1], (D_IN, D_IN), dtype=jnp.float32) * 0.02
    Wk = jax.random.normal(ks[2], (D_IN, D_IN), dtype=jnp.float32) * 0.02
    Wv = jax.random.normal(ks[3], (D_OUT, D_IN), dtype=jnp.float32) * 0.02
    Ww = jax.random.normal(ks[4], (D_OUT, D_IN), dtype=jnp.float32) * 0.02
    Wout = jax.random.normal(ks[5], (D_OUT, D_OUT), dtype=jnp.float32) * 0.02
    bout = jnp.zeros((D_OUT,), dtype=jnp.float32)
    return {"x": x, "Wq": Wq, "Wk": Wk, "Wv": Wv, "Ww": Ww, "Wout": Wout, "bout": bout}


def _attention(q, k, v, Wout, bout):
    b, n, _ = q.shape
    m = k.shape[1]
    qh = q.reshape(b, n, H, HD).transpose(0, 2, 1, 3)
    kh = k.reshape(b, m, H, HD).transpose(0, 2, 1, 3)
    vh = v.reshape(b, m, H, VD).transpose(0, 2, 1, 3)
    sim = jnp.einsum('bhil,bhjl->bhij', qh, kh) * SCALE
    att = jax.nn.softmax(sim, axis=-1)
    out = jnp.einsum('bhij,bhjl->bhil', att, vh)
    out = out.transpose(0, 2, 1, 3).reshape(b, n, H * VD)
    return out @ Wout.T + bout


def reference(x, Wq, Wk, Wv, Ww, Wout, bout):
    b, n, _ = x.shape
    q = x @ Wq.T
    k = x @ Wk.T
    v = x @ Wv.T
    w = x @ Ww.T
    # standard self-attention branch
    a = _attention(q, k, v, Wout, bout)
    # per-head FIFO KV memory branch (faiss IndexFlatIP exact inner-product search)
    qh = q.reshape(b, n, H, HD).transpose(2, 0, 1, 3).reshape(H, b * n, HD)
    kh = k.reshape(b, n, H, HD).transpose(2, 0, 1, 3).reshape(H, b * n, HD)
    vh = v.reshape(b, n, H, VD).transpose(2, 0, 1, 3).reshape(H, b * n, VD)
    m_ins = b * n
    ks_list, vs_list = [], []
    for i in range(H):
        # FIFO replacement on a zero-initialized memory of size M_SIZE
        k_mem = jnp.concatenate([jnp.zeros((M_SIZE - m_ins, HD), dtype=x.dtype), kh[i]], axis=0)
        v_mem = jnp.concatenate([jnp.zeros((M_SIZE - m_ins, VD), dtype=x.dtype), vh[i]], axis=0)
        scores = qh[i] @ k_mem.T  # exact inner-product search over the whole memory
        _, idx = jax.lax.top_k(scores, IPQ)
        idx = jax.lax.stop_gradient(idx).reshape(-1)
        ks_list.append(k_mem[idx])
        vs_list.append(v_mem[idx])
    m_ctx = n * IPQ
    k_m = jnp.stack(ks_list).reshape(H, b, m_ctx, HD).transpose(1, 2, 0, 3).reshape(b, m_ctx, H * HD)
    v_m = jnp.stack(vs_list).reshape(H, b, m_ctx, VD).transpose(1, 2, 0, 3).reshape(b, m_ctx, H * VD)
    a_m = _attention(q, k_m, v_m, Wout, bout)
    wg = jax.nn.sigmoid(w)
    return wg * a + (1.0 - wg) * a_m

if __name__ == "__main__":
    import jax
    _d = setup_inputs()
    print(jax.jit(kernel)(*tuple(_d.values())))

</pallas_src>

<mosaic_0001>
#map = affine_map<(d0, d1) -> (0, 0)>
#map1 = affine_map<(d0, d1) -> (0)>
module attributes {stable_mosaic.version = 14 : i64} {
  func.func @gather_kernel(%arg0: i32, %arg1: i32, %arg2: memref<34816x128xf32, #tpu.memory_space<hbm>>, %arg3: memref<32768xi32, #tpu.memory_space<hbm>>, %arg4: memref<32768x128xf32, #tpu.memory_space<hbm>>, %arg5: memref<512xi32, #tpu.memory_space<vmem>>, %arg6: memref<512x128xf32, #tpu.memory_space<vmem>>, %arg7: memref<!tpu.dma_semaphore, #tpu.memory_space<semaphore_mem>>) attributes {dimension_semantics = [#tpu.dimension_semantics<core_parallel>, #tpu.dimension_semantics<subcore_parallel>], iteration_bounds = array<i64: 2, 16>, scalar_prefetch = 0 : i64, scratch_operands = 3 : i64, tpu.core_type = #tpu.core_type<sc_vector_subcore>, window_params = [{transform_indices = #map}, {transform_indices = #map1}, {transform_indices = #map}]} {
    %mul3A = arith.constant 2 : i32
    %mul3A_0 = arith.muli %arg1, %mul3A : i32
    %add3A = arith.addi %mul3A_0, %arg0 : i32
    %mul3A_1 = arith.constant 1024 : i32
    %mul3A_2 = arith.muli %add3A, %mul3A_1 : i32
    %add3A_3 = arith.constant 0 : i32
    %add3A_4 = arith.addi %mul3A_2, %add3A_3 : i32
    "tpu.region"() ({
      %run_scoped3A = tpu.sem_alloc : memref<!tpu.dma_semaphore, #tpu.memory_space<semaphore_mem>>
      %dma_start3A_19 = tpu.memref_slice %arg3[%add3A_4] : memref<32768xi32, #tpu.memory_space<hbm>> -> memref<512xi32, #tpu.memory_space<hbm>>
      %dma_start3A_20 = tpu.memref_slice %arg3[%add3A_4] : memref<32768xi32, #tpu.memory_space<hbm>> -> memref<512xi32, #tpu.memory_space<hbm>>
      tpu.enqueue_dma source(%dma_start3A_20 : memref<512xi32, #tpu.memory_space<hbm>>) target(%arg5 : memref<512xi32, #tpu.memory_space<vmem>>) target_semaphore(%run_scoped3A : memref<!tpu.dma_semaphore, #tpu.memory_space<semaphore_mem>>)
      %dma_wait3A_21 = tpu.memref_slice %arg3[%add3A_4] : memref<32768xi32, #tpu.memory_space<hbm>> -> memref<512xi32, #tpu.memory_space<hbm>>
      %dma_wait3A_22 = tpu.memref_slice %arg3[%add3A_4] : memref<32768xi32, #tpu.memory_space<hbm>> -> memref<512xi32, #tpu.memory_space<hbm>>
      tpu.wait_dma2 semaphore(%run_scoped3A : memref<!tpu.dma_semaphore, #tpu.memory_space<semaphore_mem>>) src(%dma_wait3A_22 : memref<512xi32, #tpu.memory_space<hbm>>) dst(%arg5 : memref<512xi32, #tpu.memory_space<vmem>>)
      tpu.yield
    }) : () -> ()
    %dma_start3A = arith.constant 0 : i32
    %dma_start3A_5 = arith.constant 0 : i32
    %dma_start3A_6 = tpu.memref_slice %arg2[%dma_start3A, %dma_start3A_5] : memref<34816x128xf32, #tpu.memory_space<hbm>> -> memref<34816x128xf32, #tpu.memory_space<hbm>>
    tpu.enqueue_indirect_dma source(%dma_start3A_6 : memref<34816x128xf32, #tpu.memory_space<hbm>>) target(%arg6 : memref<512x128xf32, #tpu.memory_space<vmem>>) offsets(%arg5 : memref<512xi32, #tpu.memory_space<vmem>>) semaphore(%arg7 : memref<!tpu.dma_semaphore, #tpu.memory_space<semaphore_mem>>)
    %dma_wait3A = arith.constant 0 : i32
    %dma_wait3A_7 = arith.constant 0 : i32
    %dma_wait3A_8 = tpu.memref_slice %arg2[%dma_wait3A, %dma_wait3A_7] : memref<34816x128xf32, #tpu.memory_space<hbm>> -> memref<34816x128xf32, #tpu.memory_space<hbm>>
    tpu.wait_indirect_dma semaphore(%arg7 : memref<!tpu.dma_semaphore, #tpu.memory_space<semaphore_mem>>) src(%dma_wait3A_8 : memref<34816x128xf32, #tpu.memory_space<hbm>>) dst(%arg6 : memref<512x128xf32, #tpu.memory_space<vmem>>)
    "tpu.region"() ({
      %run_scoped3A = tpu.sem_alloc : memref<!tpu.dma_semaphore, #tpu.memory_space<semaphore_mem>>
      %dma_start3A_19 = arith.constant 0 : i32
      %dma_start3A_20 = tpu.memref_slice %arg4[%add3A_4, %dma_start3A_19] : memref<32768x128xf32, #tpu.memory_space<hbm>> -> memref<512x128xf32, #tpu.memory_space<hbm>>
      %dma_start3A_21 = arith.constant 0 : i32
      %dma_start3A_22 = tpu.memref_slice %arg4[%add3A_4, %dma_start3A_21] : memref<32768x128xf32, #tpu.memory_space<hbm>> -> memref<512x128xf32, #tpu.memory_space<hbm>>
      tpu.enqueue_dma source(%arg6 : memref<512x128xf32, #tpu.memory_space<vmem>>) target(%dma_start3A_22 : memref<512x128xf32, #tpu.memory_space<hbm>>) target_semaphore(%run_scoped3A : memref<!tpu.dma_semaphore, #tpu.memory_space<semaphore_mem>>)
      %dma_wait3A_23 = arith.constant 0 : i32
      %dma_wait3A_24 = tpu.memref_slice %arg4[%add3A_4, %dma_wait3A_23] : memref<32768x128xf32, #tpu.memory_space<hbm>> -> memref<512x128xf32, #tpu.memory_space<hbm>>
      %dma_wait3A_25 = arith.constant 0 : i32
      %dma_wait3A_26 = tpu.memref_slice %arg4[%add3A_4, %dma_wait3A_25] : memref<32768x128xf32, #tpu.memory_space<hbm>> -> memref<512x128xf32, #tpu.memory_space<hbm>>
      tpu.wait_dma2 semaphore(%run_scoped3A : memref<!tpu.dma_semaphore, #tpu.memory_space<semaphore_mem>>) src(%arg6 : memref<512x128xf32, #tpu.memory_space<vmem>>) dst(%dma_wait3A_26 : memref<512x128xf32, #tpu.memory_space<hbm>>)
      tpu.yield
    }) : () -> ()
    %mul3A_9 = arith.constant 1024 : i32
    %mul3A_10 = arith.muli %add3A, %mul3A_9 : i32
    %add3A_11 = arith.constant 512 : i32
    %add3A_12 = arith.addi %mul3A_10, %add3A_11 : i32
    "tpu.region"() ({
      %run_scoped3A = tpu.sem_alloc : memref<!tpu.dma_semaphore, #tpu.memory_space<semaphore_mem>>
      %dma_start3A_19 = tpu.memref_slice %arg3[%add3A_12] : memref<32768xi32, #tpu.memory_space<hbm>> -> memref<512xi32, #tpu.memory_space<hbm>>
      %dma_start3A_20 = tpu.memref_slice %arg3[%add3A_12] : memref<32768xi32, #tpu.memory_space<hbm>> -> memref<512xi32, #tpu.memory_space<hbm>>
      tpu.enqueue_dma source(%dma_start3A_20 : memref<512xi32, #tpu.memory_space<hbm>>) target(%arg5 : memref<512xi32, #tpu.memory_space<vmem>>) target_semaphore(%run_scoped3A : memref<!tpu.dma_semaphore, #tpu.memory_space<semaphore_mem>>)
      %dma_wait3A_21 = tpu.memref_slice %arg3[%add3A_12] : memref<32768xi32, #tpu.memory_space<hbm>> -> memref<512xi32, #tpu.memory_space<hbm>>
      %dma_wait3A_22 = tpu.memref_slice %arg3[%add3A_12] : memref<32768xi32, #tpu.memory_space<hbm>> -> memref<512xi32, #tpu.memory_space<hbm>>
      tpu.wait_dma2 semaphore(%run_scoped3A : memref<!tpu.dma_semaphore, #tpu.memory_space<semaphore_mem>>) src(%dma_wait3A_22 : memref<512xi32, #tpu.memory_space<hbm>>) dst(%arg5 : memref<512xi32, #tpu.memory_space<vmem>>)
      tpu.yield
    }) : () -> ()
    %dma_start3A_13 = arith.constant 0 : i32
    %dma_start3A_14 = arith.constant 0 : i32
    %dma_start3A_15 = tpu.memref_slice %arg2[%dma_start3A_13, %dma_start3A_14] : memref<34816x128xf32, #tpu.memory_space<hbm>> -> memref<34816x128xf32, #tpu.memory_space<hbm>>
    tpu.enqueue_indirect_dma source(%dma_start3A_15 : memref<34816x128xf32, #tpu.memory_space<hbm>>) target(%arg6 : memref<512x128xf32, #tpu.memory_space<vmem>>) offsets(%arg5 : memref<512xi32, #tpu.memory_space<vmem>>) semaphore(%arg7 : memref<!tpu.dma_semaphore, #tpu.memory_space<semaphore_mem>>)
    %dma_wait3A_16 = arith.constant 0 : i32
    %dma_wait3A_17 = arith.constant 0 : i32
    %dma_wait3A_18 = tpu.memref_slice %arg2[%dma_wait3A_16, %dma_wait3A_17] : memref<34816x128xf32, #tpu.memory_space<hbm>> -> memref<34816x128xf32, #tpu.memory_space<hbm>>
    tpu.wait_indirect_dma semaphore(%arg7 : memref<!tpu.dma_semaphore, #tpu.memory_space<semaphore_mem>>) src(%dma_wait3A_18 : memref<34816x128xf32, #tpu.memory_space<hbm>>) dst(%arg6 : memref<512x128xf32, #tpu.memory_space<vmem>>)
    "tpu.region"() ({
      %run_scoped3A = tpu.sem_alloc : memref<!tpu.dma_semaphore, #tpu.memory_space<semaphore_mem>>
      %dma_start3A_19 = arith.constant 0 : i32
      %dma_start3A_20 = tpu.memref_slice %arg4[%add3A_12, %dma_start3A_19] : memref<32768x128xf32, #tpu.memory_space<hbm>> -> memref<512x128xf32, #tpu.memory_space<hbm>>
      %dma_start3A_21 = arith.constant 0 : i32
      %dma_start3A_22 = tpu.memref_slice %arg4[%add3A_12, %dma_start3A_21] : memref<32768x128xf32, #tpu.memory_space<hbm>> -> memref<512x128xf32, #tpu.memory_space<hbm>>
      tpu.enqueue_dma source(%arg6 : memref<512x128xf32, #tpu.memory_space<vmem>>) target(%dma_start3A_22 : memref<512x128xf32, #tpu.memory_space<hbm>>) target_semaphore(%run_scoped3A : memref<!tpu.dma_semaphore, #tpu.memory_space<semaphore_mem>>)
      %dma_wait3A_23 = arith.constant 0 : i32
      %dma_wait3A_24 = tpu.memref_slice %arg4[%add3A_12, %dma_wait3A_23] : memref<32768x128xf32, #tpu.memory_space<hbm>> -> memref<512x128xf32, #tpu.memory_space<hbm>>
      %dma_wait3A_25 = arith.constant 0 : i32
      %dma_wait3A_26 = tpu.memref_slice %arg4[%add3A_12, %dma_wait3A_25] : memref<32768x128xf32, #tpu.memory_space<hbm>> -> memref<512x128xf32, #tpu.memory_space<hbm>>
      tpu.wait_dma2 semaphore(%run_scoped3A : memref<!tpu.dma_semaphore, #tpu.memory_space<semaphore_mem>>) src(%arg6 : memref<512x128xf32, #tpu.memory_space<vmem>>) dst(%dma_wait3A_26 : memref<512x128xf32, #tpu.memory_space<hbm>>)
      tpu.yield
    }) : () -> ()
    return
  }
}

module attributes {stable_mosaic.version = 14 : i64} {
  func.func @_proj_kernel(%arg0: i32, %arg1: memref<256x1024xf32, #tpu.memory_space<vmem>>, %arg2: memref<4096x1024xf32, #tpu.memory_space<vmem>>, %arg3: memref<16x256x64xf32, #tpu.memory_space<vmem>>, %arg4: memref<17x256x128xf32, #tpu.memory_space<vmem>>, %arg5: memref<256x1024xf32, #tpu.memory_space<vmem>>) attributes {dimension_semantics = [#tpu.dimension_semantics<arbitrary>], iteration_bounds = array<i64: 8>, scalar_prefetch = 0 : i64, scratch_operands = 0 : i64, tpu.core_type = #tpu.core_type<tc>, window_params = [{transform_indices = @transform_0, window_bounds = array<i64: 256, 1024>}, {pipeline_mode = #tpu.pipeline_mode<synchronous>, transform_indices = @transform_1, window_bounds = array<i64: 4096, 1024>}, {transform_indices = @transform_2, window_bounds = array<i64: 16, 256, 64>}, {transform_indices = @transform_3, window_bounds = array<i64: 17, 256, 128>}, {transform_indices = @transform_4, window_bounds = array<i64: 256, 1024>}]} {
    %get3A = arith.constant 0 : index
    %get3A_0 = arith.constant 0 : index
    %get3A_1 = vector.load %arg1[%get3A, %get3A_0] : memref<256x1024xf32, #tpu.memory_space<vmem>>, vector<256x1024xf32>
    %get3A_2 = arith.constant 0 : index
    %get3A_3 = arith.constant 0 : index
    %get3A_4 = vector.load %arg2[%get3A_2, %get3A_3] : memref<4096x1024xf32, #tpu.memory_space<vmem>>, vector<4096x1024xf32>
    %dot_general3A = arith.constant dense<0.000000e+00> : vector<256x4096xf32>
    %dot_general3A_5 = tpu.matmul %get3A_1, %get3A_4, %dot_general3A {dimension_numbers = #tpu.dot_dimension_numbers<[1], [1], [0], [0], [0, 0, 1, 0], [], []>, transpose_lhs_hint = false} : vector<256x1024xf32>, vector<4096x1024xf32>, vector<256x4096xf32> -> vector<256x4096xf32>
    %slice3A = vector.extract_strided_slice %dot_general3A_5 {offsets = [0, 0], sizes = [256, 64], strides = [1, 1]} : vector<256x4096xf32> to vector<256x64xf32>
    %swap3A = arith.constant 0 : index
    %swap3A_6 = arith.constant 0 : index
    %swap3A_7 = arith.constant 0 : index
    %swap3A_8 = vector.load %arg3[%swap3A, %swap3A_6, %swap3A_7] : memref<16x256x64xf32, #tpu.memory_space<vmem>>, vector<1x256x64xf32>
    %swap3A_9 = vector.shape_cast %swap3A_8 : vector<1x256x64xf32> to vector<256x64xf32>
    %swap3A_10 = vector.shape_cast %slice3A : vector<256x64xf32> to vector<1x256x64xf32>
    tpu.vector_store %arg3[%swap3A, %swap3A_6, %swap3A_7], %swap3A_10 {strides = array<i32>} : memref<16x256x64xf32, #tpu.memory_space<vmem>>, vector<1x256x64xf32>,
    %slice3A_11 = vector.extract_strided_slice %dot_general3A_5 {offsets = [0, 1024], sizes = [256, 64], strides = [1, 1]} : vector<256x4096xf32> to vector<256x64xf32>
    %swap3A_12 = arith.constant 0 : index
    %swap3A_13 = arith.constant 0 : index
    %swap3A_14 = arith.constant 0 : index
    %swap3A_15 = vector.load %arg4[%swap3A_12, %swap3A_13, %swap3A_14] : memref<17x256x128xf32, #tpu.memory_space<vmem>>, vector<1x256x64xf32>
    %swap3A_16 = vector.shape_cast %swap3A_15 : vector<1x256x64xf32> to vector<256x64xf32>
    %swap3A_17 = vector.shape_cast %slice3A_11 : vector<256x64xf32> to vector<1x256x64xf32>
    tpu.vector_store %arg4[%swap3A_12, %swap3A_13, %swap3A_14], %swap3A_17 {strides = array<i32>} : memref<17x256x128xf32, #tpu.memory_space<vmem>>, vector<1x256x64xf32>,
    %slice3A_18 = vector.extract_strided_slice %dot_general3A_5 {offsets = [0, 2048], sizes = [256, 64], strides = [1, 1]} : vector<256x4096xf32> to vector<256x64xf32>
    %swap3A_19 = arith.constant 0 : index
    %swap3A_20 = arith.constant 0 : index
    %swap3A_21 = arith.constant 64 : index
    %swap3A_22 = vector.load %arg4[%swap3A_19, %swap3A_20, %swap3A_21] : memref<17x256x128xf32, #tpu.memory_space<vmem>>, vector<1x256x64xf32>
    %swap3A_23 = vector.shape_cast %swap3A_22 : vector<1x256x64xf32> to vector<256x64xf32>
    %swap3A_24 = vector.shape_cast %slice3A_18 : vector<256x64xf32> to vector<1x256x64xf32>
    tpu.vector_store %arg4[%swap3A_19, %swap3A_20, %swap3A_21], %swap3A_24 {strides = array<i32>} : memref<17x256x128xf32, #tpu.memory_space<vmem>>, vector<1x256x64xf32>,
    %slice3A_25 = vector.extract_strided_slice %dot_general3A_5 {offsets = [0, 64], sizes = [256, 64], strides = [1, 1]} : vector<256x4096xf32> to vector<256x64xf32>
    %swap3A_26 = arith.constant 1 : index
    %swap3A_27 = arith.constant 0 : index
    %swap3A_28 = arith.constant 0 : index
    %swap3A_29 = vector.load %arg3[%swap3A_26, %swap3A_27, %swap3A_28] : memref<16x256x64xf32, #tpu.memory_space<vmem>>, vector<1x256x64xf32>
    %swap3A_30 = vector.shape_cast %swap3A_29 : vector<1x256x64xf32> to vector<256x64xf32>
    %swap3A_31 = vector.shape_cast %slice3A_25 : vector<256x64xf32> to vector<1x256x64xf32>
    tpu.vector_store %arg3[%swap3A_26, %swap3A_27, %swap3A_28], %swap3A_31 {strides = array<i32>} : memref<16x256x64xf32, #tpu.memory_space<vmem>>, vector<1x256x64xf32>,
    %slice3A_32 = vector.extract_strided_slice %dot_general3A_5 {offsets = [0, 1088], sizes = [256, 64], strides = [1, 1]} : vector<256x4096xf32> to vector<256x64xf32>
    %swap3A_33 = arith.constant 1 : index
    %swap3A_34 = arith.constant 0 : index
    %swap3A_35 = arith.constant 0 : index
    %swap3A_36 = vector.load %arg4[%swap3A_33, %swap3A_34, %swap3A_35] : memref<17x256x128xf32, #tpu.memory_space<vmem>>, vector<1x256x64xf32>
    %swap3A_37 = vector.shape_cast %swap3A_36 : vector<1x256x64xf32> to vector<256x64xf32>
    %swap3A_38 = vector.shape_cast %slice3A_32 : vector<256x64xf32> to vector<1x256x64xf32>
    tpu.vector_store %arg4[%swap3A_33, %swap3A_34, %swap3A_35], %swap3A_38 {strides = array<i32>} : memref<17x256x128xf32, #tpu.memory_space<vmem>>, vector<1x256x64xf32>,
    %slice3A_39 = vector.extract_strided_slice %dot_general3A_5 {offsets = [0, 2112], sizes = [256, 64], strides = [1, 1]} : vector<256x4096xf32> to vector<256x64xf32>
    %swap3A_40 = arith.constant 1 : index
    %swap3A_41 = arith.constant 0 : index
    %swap3A_42 = arith.constant 64 : index
    %swap3A_43 = vector.load %arg4[%swap3A_40, %swap3A_41, %swap3A_42] : memref<17x256x128xf32, #tpu.memory_space<vmem>>, vector<1x256x64xf32>
    %swap3A_44 = vector.shape_cast %swap3A_43 : vector<1x256x64xf32> to vector<256x64xf32>
    %swap3A_45 = vector.shape_cast %slice3A_39 : vector<256x64xf32> to vector<1x256x64xf32>
    tpu.vector_store %arg4[%swap3A_40, %swap3A_41, %swap3A_42], %swap3A_45 {strides = array<i32>} : memref<17x256x128xf32, #tpu.memory_space<vmem>>, vector<1x256x64xf32>,
    %slice3A_46 = vector.extract_strided_slice %dot_general3A_5 {offsets = [0, 128], sizes = [256, 64], strides = [1, 1]} : vector<256x4096xf32> to vector<256x64xf32>
    %swap3A_47 = arith.constant 2 : index
    %swap3A_48 = arith.constant 0 : index
    %swap3A_49 = arith.constant 0 : index
    %swap3A_50 = vector.load %arg3[%swap3A_47, %swap3A_48, %swap3A_49] : memref<16x256x64xf32, #tpu.memory_space<vmem>>, vector<1x256x64xf32>
    %swap3A_51 = vector.shape_cast %swap3A_50 : vector<1x256x64xf32> to vector<256x64xf32>
    %swap3A_52 = vector.shape_cast %slice3A_46 : vector<256x64xf32> to vector<1x256x64xf32>
    tpu.vector_store %arg3[%swap3A_47, %swap3A_48, %swap3A_49], %swap3A_52 {strides = array<i32>} : memref<16x256x64xf32, #tpu.memory_space<vmem>>, vector<1x256x64xf32>,
    %slice3A_53 = vector.extract_strided_slice %dot_general3A_5 {offsets = [0, 1152], sizes = [256, 64], strides = [1, 1]} : vector<256x4096xf32> to vector<256x64xf32>
    %swap3A_54 = arith.constant 2 : index
    %swap3A_55 = arith.constant 0 : index
    %swap3A_56 = arith.constant 0 : index
    %swap3A_57 = vector.load %arg4[%swap3A_54, %swap3A_55, %swap3A_56] : memref<17x256x128xf32, #tpu.memory_space<vmem>>, vector<1x256x64xf32>
    %swap3A_58 = vector.shape_cast %swap3A_57 : vector<1x256x64xf32> to vector<256x64xf32>
    %swap3A_59 = vector.shape_cast %slice3A_53 : vector<256x64xf32> to vector<1x256x64xf32>
    tpu.vector_store %arg4[%swap3A_54, %swap3A_55, %swap3A_56], %swap3A_59 {strides = array<i32>} : memref<17x256x128xf32, #tpu.memory_space<vmem>>, vector<1x256x64xf32>,
    %slice3A_60 = vector.extract_strided_slice %dot_general3A_5 {offsets = [0, 2176], sizes = [256, 64], strides = [1, 1]} : vector<256x4096xf32> to vector<256x64xf32>
    %swap3A_61 = arith.constant 2 : index
    %swap3A_62 = arith.constant 0 : index
    %swap3A_63 = arith.constant 64 : index
    %swap3A_64 = vector.load %arg4[%swap3A_61, %swap3A_62, %swap3A_63] : memref<17x256x128xf32, #tpu.memory_space<vmem>>, vector<1x256x64xf32>
    %swap3A_65 = vector.shape_cast %swap3A_64 : vector<1x256x64xf32> to vector<256x64xf32>
    %swap3A_66 = vector.shape_cast %slice3A_60 : vector<256x64xf32> to vector<1x256x64xf32>
    tpu.vector_store %arg4[%swap3A_61, %swap3A_62, %swap3A_63], %swap3A_66 {strides = array<i32>} : memref<17x256x128xf32, #tpu.memory_space<vmem>>, vector<1x256x64xf32>,
    %slice3A_67 = vector.extract_strided_slice %dot_general3A_5 {offsets = [0, 192], sizes = [256, 64], strides = [1, 1]} : vector<256x4096xf32> to vector<256x64xf32>
    %swap3A_68 = arith.constant 3 : index
    %swap3A_69 = arith.constant 0 : index
    %swap3A_70 = arith.constant 0 : index
    %swap3A_71 = vector.load %arg3[%swap3A_68, %swap3A_69, %swap3A_70] : memref<16x256x64xf32, #tpu.memory_space<vmem>>, vector<1x256x64xf32>
    %swap3A_72 = vector.shape_cast %swap3A_71 : vector<1x256x64xf32> to vector<256x64xf32>
    %swap3A_73 = vector.shape_cast %slice3A_67 : vector<256x64xf32> to vector<1x256x64xf32>
    tpu.vector_store %arg3[%swap3A_68, %swap3A_69, %swap3A_70], %swap3A_73 {strides = array<i32>} : memref<16x256x64xf32, #tpu.memory_space<vmem>>, vector<1x256x64xf32>,
    %slice3A_74 = vector.extract_strided_slice %dot_general3A_5 {offsets = [0, 1216], sizes = [256, 64], strides = [1, 1]} : vector<256x4096xf32> to vector<256x64xf32>
    %swap3A_75 = arith.constant 3 : index
    %swap3A_76 = arith.constant 0 : index
    %swap3A_77 = arith.constant 0 : index
    %swap3A_78 = vector.load %arg4[%swap3A_75, %swap3A_76, %swap3A_77] : memref<17x256x128xf32, #tpu.memory_space<vmem>>, vector<1x256x64xf32>
    %swap3A_79 = vector.shape_cast %swap3A_78 : vector<1x256x64xf32> to vector<256x64xf32>
    %swap3A_80 = vector.shape_cast %slice3A_74 : vector<256x64xf32> to vector<1x256x64xf32>
    tpu.vector_store %arg4[%swap3A_75, %swap3A_76, %swap3A_77], %swap3A_80 {strides = array<i32>} : memref<17x256x128xf32, #tpu.memory_space<vmem>>, vector<1x256x64xf32>,
    %slice3A_81 = vector.extract_strided_slice %dot_general3A_5 {offsets = [0, 2240], sizes = [256, 64], strides = [1, 1]} : vector<256x4096xf32> to vector<256x64xf32>
    %swap3A_82 = arith.constant 3 : index
    %swap3A_83 = arith.constant 0 : index
    %swap3A_84 = arith.constant 64 : index
    %swap3A_85 = vector.load %arg4[%swap3A_82, %swap3A_83, %swap3A_84] : memref<17x256x128xf32, #tpu.memory_space<vmem>>, vector<1x256x64xf32>
    %swap3A_86 = vector.shape_cast %swap3A_85 : vector<1x256x64xf32> to vector<256x64xf32>
    %swap3A_87 = vector.shape_cast %slice3A_81 : vector<256x64xf32> to vector<1x256x64xf32>
    tpu.vector_store %arg4[%swap3A_82, %swap3A_83, %swap3A_84], %swap3A_87 {strides = array<i32>} : memref<17x256x128xf32, #tpu.memory_space<vmem>>, vector<1x256x64xf32>,
    %slice3A_88 = vector.extract_strided_slice %dot_general3A_5 {offsets = [0, 256], sizes = [256, 64], strides = [1, 1]} : vector<256x4096xf32> to vector<256x64xf32>
    %swap3A_89 = arith.constant 4 : index
    %swap3A_90 = arith.constant 0 : index
    %swap3A_91 = arith.constant 0 : index
    %swap3A_92 = vector.load %arg3[%swap3A_89, %swap3A_90, %swap3A_91] : memref<16x256x64xf32, #tpu.memory_space<vmem>>, vector<1x256x64xf32>
    %swap3A_93 = vector.shape_cast %swap3A_92 : vector<1x256x64xf32> to vector<256x64xf32>
    %swap3A_94 = vector.shape_cast %slice3A_88 : vector<256x64xf32> to vector<1x256x64xf32>
    tpu.vector_store %arg3[%swap3A_89, %swap3A_90, %swap3A_91], %swap3A_94 {strides = array<i32>} : memref<16x256x64xf32, #tpu.memory_space<vmem>>, vector<1x256x64xf32>,
    %slice3A_95 = vector.extract_strided_slice %dot_general3A_5 {offsets = [0, 1280], sizes = [256, 64], strides = [1, 1]} : vector<256x4096xf32> to vector<256x64xf32>
    %swap3A_96 = arith.constant 4 : index
    %swap3A_97 = arith.constant 0 : index
    %swap3A_98 = arith.constant 0 : index
    %swap3A_99 = vector.load %arg4[%swap3A_96, %swap3A_97, %swap3A_98] : memref<17x256x128xf32, #tpu.memory_space<vmem>>, vector<1x256x64xf32>
    %swap3A_100 = vector.shape_cast %swap3A_99 : vector<1x256x64xf32> to vector<256x64xf32>
    %swap3A_101 = vector.shape_cast %slice3A_95 : vector<256x64xf32> to vector<1x256x64xf32>
    tpu.vector_store %arg4[%swap3A_96, %swap3A_97, %swap3A_98], %swap3A_101 {strides = array<i32>} : memref<17x256x128xf32, #tpu.memory_space<vmem>>, vector<1x256x64xf32>,
    %slice3A_102 = vector.extract_strided_slice %dot_general3A_5 {offsets = [0, 2304], sizes = [256, 64], strides = [1, 1]} : vector<256x4096xf32> to vector<256x64xf32>
    %swap3A_103 = arith.constant 4 : index
    %swap3A_104 = arith.constant 0 : index
    %swap3A_105 = arith.constant 64 : index
    %swap3A_106 = vector.load %arg4[%swap3A_103, %swap3A_104, %swap3A_105] : memref<17x256x128xf32, #tpu.memory_space<vmem>>, vector<1x256x64xf32>
    %swap3A_107 = vector.shape_cast %swap3A_106 : vector<1x256x64xf32> to vector<256x64xf32>
    %swap3A_108 = vector.shape_cast %slice3A_102 : vector<256x64xf32> to vector<1x256x64xf32>
    tpu.vector_store %arg4[%swap3A_103, %swap3A_104, %swap3A_105], %swap3A_108 {strides = array<i32>} : memref<17x256x128xf32, #tpu.memory_space<vmem>>, vector<1x256x64xf32>,
    %slice3A_109 = vector.extract_strided_slice %dot_general3A_5 {offsets = [0, 320], sizes = [256, 64], strides = [1, 1]} : vector<256x4096xf32> to vector<256x64xf32>
    %swap3A_110 = arith.constant 5 : index
    %swap3A_111 = arith.constant 0 : index
    %swap3A_112 = arith.constant 0 : index
    %swap3A_113 = vector.load %arg3[%swap3A_110, %swap3A_111, %swap3A_112] : memref<16x256x64xf32, #tpu.memory_space<vmem>>, vector<1x256x64xf32>
    %swap3A_114 = vector.shape_cast %swap3A_113 : vector<1x256x64xf32> to vector<256x64xf32>
    %swap3A_115 = vector.shape_cast %slice3A_109 : vector<256x64xf32> to vector<1x256x64xf32>
    tpu.vector_store %arg3[%swap3A_110, %swap3A_111, %swap3A_112], %swap3A_115 {strides = array<i32>} : memref<16x256x64xf32, #tpu.memory_space<vmem>>, vector<1x256x64xf32>,
    %slice3A_116 = vector.extract_strided_slice %dot_general3A_5 {offsets = [0, 1344], sizes = [256, 64], strides = [1, 1]} : vector<256x4096xf32> to vector<256x64xf32>
    %swap3A_117 = arith.constant 5 : index
    %swap3A_118 = arith.constant 0 : index
    %swap3A_119 = arith.constant 0 : index
    %swap3A_120 = vector.load %arg4[%swap3A_117, %swap3A_118, %swap3A_119] : memref<17x256x128xf32, #tpu.memory_space<vmem>>, vector<1x256x64xf32>
    %swap3A_121 = vector.shape_cast %swap3A_120 : vector<1x256x64xf32> to vector<256x64xf32>
    %swap3A_122 = vector.shape_cast %slice3A_116 : vector<256x64xf32> to vector<1x256x64xf32>
    tpu.vector_store %arg4[%swap3A_117, %swap3A_118, %swap3A_119], %swap3A_122 {strides = array<i32>} : memref<17x256x128xf32, #tpu.memory_space<vmem>>, vector<1x256x64xf32>,
    %slice3A_123 = vector.extract_strided_slice %dot_general3A_5 {offsets = [0, 2368], sizes = [256, 64], strides = [1, 1]} : vector<256x4096xf32> to vector<256x64xf32>
    %swap3A_124 = arith.constant 5 : index
    %swap3A_125 = arith.constant 0 : index
    %swap3A_126 = arith.constant 64 : index
    %swap3A_127 = vector.load %arg4[%swap3A_124, %swap3A_125, %swap3A_126] : memref<17x256x128xf32, #tpu.memory_space<vmem>>, vector<1x256x64xf32>
    %swap3A_128 = vector.shape_cast %swap3A_127 : vector<1x256x64xf32> to vector<256x64xf32>
    %swap3A_129 = vector.shape_cast %slice3A_123 : vector<256x64xf32> to vector<1x256x64xf32>
    tpu.vector_store %arg4[%swap3A_124, %swap3A_125, %swap3A_126], %swap3A_129 {strides = array<i32>} : memref<17x256x128xf32, #tpu.memory_space<vmem>>, vector<1x256x64xf32>,
    %slice3A_130 = vector.extract_strided_slice %dot_general3A_5 {offsets = [0, 384], sizes = [256, 64], strides = [1, 1]} : vector<256x4096xf32> to vector<256x64xf32>
    %swap3A_131 = arith.constant 6 : index
    %swap3A_132 = arith.constant 0 : index
    %swap3A_133 = arith.constant 0 : index
    %swap3A_134 = vector.load %arg3[%swap3A_131, %swap3A_132, %swap3A_133] : memref<16x256x64xf32, #tpu.memory_space<vmem>>, vector<1x256x64xf32>
    %swap3A_135 = vector.shape_cast %swap3A_134 : vector<1x256x64xf32> to vector<256x64xf32>
    %swap3A_136 = vector.shape_cast %slice3A_130 : vector<256x64xf32> to vector<1x256x64xf32>
    tpu.vector_store %arg3[%swap3A_131, %swap3A_132, %swap3A_133], %swap3A_136 {strides = array<i32>} : memref<16x256x64xf32, #tpu.memory_space<vmem>>, vector<1x256x64xf32>,
    %slice3A_137 = vector.extract_strided_slice %dot_general3A_5 {offsets = [0, 1408], sizes = [256, 64], strides = [1, 1]} : vector<256x4096xf32> to vector<256x64xf32>
    %swap3A_138 = arith.constant 6 : index
    %swap3A_139 = arith.constant 0 : index
    %swap3A_140 = arith.constant 0 : index
    %swap3A_141 = vector.load %arg4[%swap3A_138, %swap3A_139, %swap3A_140] : memref<17x256x128xf32, #tpu.memory_space<vmem>>, vector<1x256x64xf32>
    %swap3A_142 = vector.shape_cast %swap3A_141 : vector<1x256x64xf32> to vector<256x64xf32>
    %swap3A_143 = vector.shape_cast %slice3A_137 : vector<256x64xf32> to vector<1x256x64xf32>
    tpu.vector_store %arg4[%swap3A_138, %swap3A_139, %swap3A_140], %swap3A_143 {strides = array<i32>} : memref<17x256x128xf32, #tpu.memory_space<vmem>>, vector<1x256x64xf32>,
    %slice3A_144 = vector.extract_strided_slice %dot_general3A_5 {offsets = [0, 2432], sizes = [256, 64], strides = [1, 1]} : vector<256x4096xf32> to vector<256x64xf32>
    %swap3A_145 = arith.constant 6 : index
    %swap3A_146 = arith.constant 0 : index
    %swap3A_147 = arith.constant 64 : index
    %swap3A_148 = vector.load %arg4[%swap3A_145, %swap3A_146, %swap3A_147] : memref<17x256x128xf32, #tpu.memory_space<vmem>>, vector<1x256x64xf32>
    %swap3A_149 = vector.shape_cast %swap3A_148 : vector<1x256x64xf32> to vector<256x64xf32>
    %swap3A_150 = vector.shape_cast %slice3A_144 : vector<256x64xf32> to vector<1x256x64xf32>
    tpu.vector_store %arg4[%swap3A_145, %swap3A_146, %swap3A_147], %swap3A_150 {strides = array<i32>} : memref<17x256x128xf32, #tpu.memory_space<vmem>>, vector<1x256x64xf32>,
    %slice3A_151 = vector.extract_strided_slice %dot_general3A_5 {offsets = [0, 448], sizes = [256, 64], strides = [1, 1]} : vector<256x4096xf32> to vector<256x64xf32>
    %swap3A_152 = arith.constant 7 : index
    %swap3A_153 = arith.constant 0 : index
    %swap3A_154 = arith.constant 0 : index
    %swap3A_155 = vector.load %arg3[%swap3A_152, %swap3A_153, %swap3A_154] : memref<16x256x64xf32, #tpu.memory_space<vmem>>, vector<1x256x64xf32>
    %swap3A_156 = vector.shape_cast %swap3A_155 : vector<1x256x64xf32> to vector<256x64xf32>
    %swap3A_157 = vector.shape_cast %slice3A_151 : vector<256x64xf32> to vector<1x256x64xf32>
    tpu.vector_store %arg3[%swap3A_152, %swap3A_153, %swap3A_154], %swap3A_157 {strides = array<i32>} : memref<16x256x64xf32, #tpu.memory_space<vmem>>, vector<1x256x64xf32>,
    %slice3A_158 = vector.extract_strided_slice %dot_general3A_5 {offsets = [0, 1472], sizes = [256, 64], strides = [1, 1]} : vector<256x4096xf32> to vector<256x64xf32>
    %swap3A_159 = arith.constant 7 : index
    %swap3A_160 = arith.constant 0 : index
    %swap3A_161 = arith.constant 0 : index
    %swap3A_162 = vector.load %arg4[%swap3A_159, %swap3A_160, %swap3A_161] : memref<17x256x128xf32, #tpu.memory_space<vmem>>, vector<1x256x64xf32>
    %swap3A_163 = vector.shape_cast %swap3A_162 : vector<1x256x64xf32> to vector<256x64xf32>
    %swap3A_164 = vector.shape_cast %slice3A_158 : vector<256x64xf32> to vector<1x256x64xf32>
    tpu.vector_store %arg4[%swap3A_159, %swap3A_160, %swap3A_161], %swap3A_164 {strides = array<i32>} : memref<17x256x128xf32, #tpu.memory_space<vmem>>, vector<1x256x64xf32>,
    %slice3A_165 = vector.extract_strided_slice %dot_general3A_5 {offsets = [0, 2496], sizes = [256, 64], strides = [1, 1]} : vector<256x4096xf32> to vector<256x64xf32>
    %swap3A_166 = arith.constant 7 : index
    %swap3A_167 = arith.constant 0 : index
    %swap3A_168 = arith.constant 64 : index
    %swap3A_169 = vector.load %arg4[%swap3A_166, %swap3A_167, %swap3A_168] : memref<17x256x128xf32, #tpu.memory_space<vmem>>, vector<1x256x64xf32>
    %swap3A_170 = vector.shape_cast %swap3A_169 : vector<1x256x64xf32> to vector<256x64xf32>
    %swap3A_171 = vector.shape_cast %slice3A_165 : vector<256x64xf32> to vector<1x256x64xf32>
    tpu.vector_store %arg4[%swap3A_166, %swap3A_167, %swap3A_168], %swap3A_171 {strides = array<i32>} : memref<17x256x128xf32, #tpu.memory_space<vmem>>, vector<1x256x64xf32>,
    %slice3A_172 = vector.extract_strided_slice %dot_general3A_5 {offsets = [0, 512], sizes = [256, 64], strides = [1, 1]} : vector<256x4096xf32> to vector<256x64xf32>
    %swap3A_173 = arith.constant 8 : index
    %swap3A_174 = arith.constant 0 : index
    %swap3A_175 = arith.constant 0 : index
    %swap3A_176 = vector.load %arg3[%swap3A_173, %swap3A_174, %swap3A_175] : memref<16x256x64xf32, #tpu.memory_space<vmem>>, vector<1x256x64xf32>
    %swap3A_177 = vector.shape_cast %swap3A_176 : vector<1x256x64xf32> to vector<256x64xf32>
    %swap3A_178 = vector.shape_cast %slice3A_172 : vector<256x64xf32> to vector<1x256x64xf32>
    tpu.vector_store %arg3[%swap3A_173, %swap3A_174, %swap3A_175], %swap3A_178 {strides = array<i32>} : memref<16x256x64xf32, #tpu.memory_space<vmem>>, vector<1x256x64xf32>,
    %slice3A_179 = vector.extract_strided_slice %dot_general3A_5 {offsets = [0, 1536], sizes = [256, 64], strides = [1, 1]} : vector<256x4096xf32> to vector<256x64xf32>
    %swap3A_180 = arith.constant 8 : index
    %swap3A_181 = arith.constant 0 : index
    %swap3A_182 = arith.constant 0 : index
    %swap3A_183 = vector.load %arg4[%swap3A_180, %swap3A_181, %swap3A_182] : memref<17x256x128xf32, #tpu.memory_space<vmem>>, vector<1x256x64xf32>
    %swap3A_184 = vector.shape_cast %swap3A_183 : vector<1x256x64xf32> to vector<256x64xf32>
    %swap3A_185 = vector.shape_cast %slice3A_179 : vector<256x64xf32> to vector<1x256x64xf32>
    tpu.vector_store %arg4[%swap3A_180, %swap3A_181, %swap3A_182], %swap3A_185 {strides = array<i32>} : memref<17x256x128xf32, #tpu.memory_space<vmem>>, vector<1x256x64xf32>,
    %slice3A_186 = vector.extract_strided_slice %dot_general3A_5 {offsets = [0, 2560], sizes = [256, 64], strides = [1, 1]} : vector<256x4096xf32> to vector<256x64xf32>
    %swap3A_187 = arith.constant 8 : index
    %swap3A_188 = arith.constant 0 : index
    %swap3A_189 = arith.constant 64 : index
    %swap3A_190 = vector.load %arg4[%swap3A_187, %swap3A_188, %swap3A_189] : memref<17x256x128xf32, #tpu.memory_space<vmem>>, vector<1x256x64xf32>
    %swap3A_191 = vector.shape_cast %swap3A_190 : vector<1x256x64xf32> to vector<256x64xf32>
    %swap3A_192 = vector.shape_cast %slice3A_186 : vector<256x64xf32> to vector<1x256x64xf32>
    tpu.vector_store %arg4[%swap3A_187, %swap3A_188, %swap3A_189], %swap3A_192 {strides = array<i32>} : memref<17x256x128xf32, #tpu.memory_space<vmem>>, vector<1x256x64xf32>,
    %slice3A_193 = vector.extract_strided_slice %dot_general3A_5 {offsets = [0, 576], sizes = [256, 64], strides = [1, 1]} : vector<256x4096xf32> to vector<256x64xf32>
    %swap3A_194 = arith.constant 9 : index
    %swap3A_195 = arith.constant 0 : index
    %swap3A_196 = arith.constant 0 : index
    %swap3A_197 = vector.load %arg3[%swap3A_194, %swap3A_195, %swap3A_196] : memref<16x256x64xf32, #tpu.memory_space<vmem>>, vector<1x256x64xf32>
    %swap3A_198 = vector.shape_cast %swap3A_197 : vector<1x256x64xf32> to vector<256x64xf32>
    %swap3A_199 = vector.shape_cast %slice3A_193 : vector<256x64xf32> to vector<1x256x64xf32>
    tpu.vector_store %arg3[%swap3A_194, %swap3A_195, %swap3A_196], %swap3A_199 {strides = array<i32>} : memref<16x256x64xf32, #tpu.memory_space<vmem>>, vector<1x256x64xf32>,
    %slice3A_200 = vector.extract_strided_slice %dot_general3A_5 {offsets = [0, 1600], sizes = [256, 64], strides = [1, 1]} : vector<256x4096xf32> to vector<256x64xf32>
    %swap3A_201 = arith.constant 9 : index
    %swap3A_202 = arith.constant 0 : index
    %swap3A_203 = arith.constant 0 : index
    %swap3A_204 = vector.load %arg4[%swap3A_201, %swap3A_202, %swap3A_203] : memref<17x256x128xf32, #tpu.memory_space<vmem>>, vector<1x256x64xf32>
    %swap3A_205 = vector.shape_cast %swap3A_204 : vector<1x256x64xf32> to vector<256x64xf32>
    %swap3A_206 = vector.shape_cast %slice3A_200 : vector<256x64xf32> to vector<1x256x64xf32>
    tpu.vector_store %arg4[%swap3A_201, %swap3A_202, %swap3A_203], %swap3A_206 {strides = array<i32>} : memref<17x256x128xf32, #tpu.memory_space<vmem>>, vector<1x256x64xf32>,
    %slice3A_207 = vector.extract_strided_slice %dot_general3A_5 {offsets = [0, 2624], sizes = [256, 64], strides = [1, 1]} : vector<256x4096xf32> to vector<256x64xf32>
    %swap3A_208 = arith.constant 9 : index
    %swap3A_209 = arith.constant 0 : index
    %swap3A_210 = arith.constant 64 : index
    %swap3A_211 = vector.load %arg4[%swap3A_208, %swap3A_209, %swap3A_210] : memref<17x256x128xf32, #tpu.memory_space<vmem>>, vector<1x256x64xf32>
    %swap3A_212 = vector.shape_cast %swap3A_211 : vector<1x256x64xf32> to vector<256x64xf32>
    %swap3A_213 = vector.shape_cast %slice3A_207 : vector<256x64xf32> to vector<1x256x64xf32>
    tpu.vector_store %arg4[%swap3A_208, %swap3A_209, %swap3A_210], %swap3A_213 {strides = array<i32>} : memref<17x256x128xf32, #tpu.memory_space<vmem>>, vector<1x256x64xf32>,
    %slice3A_214 = vector.extract_strided_slice %dot_general3A_5 {offsets = [0, 640], sizes = [256, 64], strides = [1, 1]} : vector<256x4096xf32> to vector<256x64xf32>
    %swap3A_215 = arith.constant 10 : index
    %swap3A_216 = arith.constant 0 : index
    %swap3A_217 = arith.constant 0 : index
    %swap3A_218 = vector.load %arg3[%swap3A_215, %swap3A_216, %swap3A_217] : memref<16x256x64xf32, #tpu.memory_space<vmem>>, vector<1x256x64xf32>
    %swap3A_219 = vector.shape_cast %swap3A_218 : vector<1x256x64xf32> to vector<256x64xf32>
    %swap3A_220 = vector.shape_cast %slice3A_214 : vector<256x64xf32> to vector<1x256x64xf32>
    tpu.vector_store %arg3[%swap3A_215, %swap3A_216, %swap3A_217], %swap3A_220 {strides = array<i32>} : memref<16x256x64xf32, #tpu.memory_space<vmem>>, vector<1x256x64xf32>,
    %slice3A_221 = vector.extract_strided_slice %dot_general3A_5 {offsets = [0, 1664], sizes = [256, 64], strides = [1, 1]} : vector<256x4096xf32> to vector<256x64xf32>
    %swap3A_222 = arith.constant 10 : index
    %swap3A_223 = arith.constant 0 : index
    %swap3A_224 = arith.constant 0 : index
    %swap3A_225 = vector.load %arg4[%swap3A_222, %swap3A_223, %swap3A_224] : memref<17x256x128xf32, #tpu.memory_space<vmem>>, vector<1x256x64xf32>
    %swap3A_226 = vector.shape_cast %swap3A_225 : vector<1x256x64xf32> to vector<256x64xf32>
    %swap3A_227 = vector.shape_cast %slice3A_221 : vector<256x64xf32> to vector<1x256x64xf32>
    tpu.vector_store %arg4[%swap3A_222, %swap3A_223, %swap3A_224], %swap3A_227 {strides = array<i32>} : memref<17x256x128xf32, #tpu.memory_space<vmem>>, vector<1x256x64xf32>,
    %slice3A_228 = vector.extract_strided_slice %dot_general3A_5 {offsets = [0, 2688], sizes = [256, 64], strides = [1, 1]} : vector<256x4096xf32> to vector<256x64xf32>
    %swap3A_229 = arith.constant 10 : index
    %swap3A_230 = arith.constant 0 : index
    %swap3A_231 = arith.constant 64 : index
    %swap3A_232 = vector.load %arg4[%swap3A_229, %swap3A_230, %swap3A_231] : memref<17x256x128xf32, #tpu.memory_space<vmem>>, vector<1x256x64xf32>
    %swap3A_233 = vector.shape_cast %swap3A_232 : vector<1x256x64xf32> to vector<256x64xf32>
    %swap3A_234 = vector.shape_cast %slice3A_228 : vector<256x64xf32> to vector<1x256x64xf32>
    tpu.vector_store %arg4[%swap3A_229, %swap3A_230, %swap3A_231], %swap3A_234 {strides = array<i32>} : memref<17x256x128xf32, #tpu.memory_space<vmem>>, vector<1x256x64xf32>,
    %slice3A_235 = vector.extract_strided_slice %dot_general3A_5 {offsets = [0, 704], sizes = [256, 64], strides = [1, 1]} : vector<256x4096xf32> to vector<256x64xf32>
    %swap3A_236 = arith.constant 11 : index
    %swap3A_237 = arith.constant 0 : index
    %swap3A_238 = arith.constant 0 : index
    %swap3A_239 = vector.load %arg3[%swap3A_236, %swap3A_237, %swap3A_238] : memref<16x256x64xf32, #tpu.memory_space<vmem>>, vector<1x256x64xf32>
    %swap3A_240 = vector.shape_cast %swap3A_239 : vector<1x256x64xf32> to vector<256x64xf32>
    %swap3A_241 = vector.shape_cast %slice3A_235 : vector<256x64xf32> to vector<1x256x64xf32>
    tpu.vector_store %arg3[%swap3A_236, %swap3A_237, %swap3A_238], %swap3A_241 {strides = array<i32>} : memref<16x256x64xf32, #tpu.memory_space<vmem>>, vector<1x256x64xf32>,
    %slice3A_242 = vector.extract_strided_slice %dot_general3A_5 {offsets = [0, 1728], sizes = [256, 64], strides = [1, 1]} : vector<256x4096xf32> to vector<256x64xf32>
    %swap3A_243 = arith.constant 11 : index
    %swap3A_244 = arith.constant 0 : index
    %swap3A_245 = arith.constant 0 : index
    %swap3A_246 = vector.load %arg4[%swap3A_243, %swap3A_244, %swap3A_245] : memref<17x256x128xf32, #tpu.memory_space<vmem>>, vector<1x256x64xf32>
    %swap3A_247 = vector.shape_cast %swap3A_246 : vector<1x256x64xf32> to vector<256x64xf32>
    %swap3A_248 = vector.shape_cast %slice3A_242 : vector<256x64xf32> to vector<1x256x64xf32>
    tpu.vector_store %arg4[%swap3A_243, %swap3A_244, %swap3A_245], %swap3A_248 {strides = array<i32>} : memref<17x256x128xf32, #tpu.memory_space<vmem>>, vector<1x256x64xf32>,
    %slice3A_249 = vector.extract_strided_slice %dot_general3A_5 {offsets = [0, 2752], sizes = [256, 64], strides = [1, 1]} : vector<256x4096xf32> to vector<256x64xf32>
    %swap3A_250 = arith.constant 11 : index
    %swap3A_251 = arith.constant 0 : index
    %swap3A_252 = arith.constant 64 : index
    %swap3A_253 = vector.load %arg4[%swap3A_250, %swap3A_251, %swap3A_252] : memref<17x256x128xf32, #tpu.memory_space<vmem>>, vector<1x256x64xf32>
    %swap3A_254 = vector.shape_cast %swap3A_253 : vector<1x256x64xf32> to vector<256x64xf32>
    %swap3A_255 = vector.shape_cast %slice3A_249 : vector<256x64xf32> to vector<1x256x64xf32>
    tpu.vector_store %arg4[%swap3A_250, %swap3A_251, %swap3A_252], %swap3A_255 {strides = array<i32>} : memref<17x256x128xf32, #tpu.memory_space<vmem>>, vector<1x256x64xf32>,
    %slice3A_256 = vector.extract_strided_slice %dot_general3A_5 {offsets = [0, 768], sizes = [256, 64], strides = [1, 1]} : vector<256x4096xf32> to vector<256x64xf32>
    %swap3A_257 = arith.constant 12 : index
    %swap3A_258 = arith.constant 0 : index
    %swap3A_259 = arith.constant 0 : index
    %swap3A_260 = vector.load %arg3[%swap3A_257, %swap3A_258, %swap3A_259] : memref<16x256x64xf32, #tpu.memory_space<vmem>>, vector<1x256x64xf32>
    %swap3A_261 = vector.shape_cast %swap3A_260 : vector<1x256x64xf32> to vector<256x64xf32>
    %swap3A_262 = vector.shape_cast %slice3A_256 : vector<256x64xf32> to vector<1x256x64xf32>
    tpu.vector_store %arg3[%swap3A_257, %swap3A_258, %swap3A_259], %swap3A_262 {strides = array<i32>} : memref<16x256x64xf32, #tpu.memory_space<vmem>>, vector<1x256x64xf32>,
    %slice3A_263 = vector.extract_strided_slice %dot_general3A_5 {offsets = [0, 1792], sizes = [256, 64], strides = [1, 1]} : vector<256x4096xf32> to vector<256x64xf32>
    %swap3A_264 = arith.constant 12 : index
    %swap3A_265 = arith.constant 0 : index
    %swap3A_266 = arith.constant 0 : index
    %swap3A_267 = vector.load %arg4[%swap3A_264, %swap3A_265, %swap3A_266] : memref<17x256x128xf32, #tpu.memory_space<vmem>>, vector<1x256x64xf32>
    %swap3A_268 = vector.shape_cast %swap3A_267 : vector<1x256x64xf32> to vector<256x64xf32>
    %swap3A_269 = vector.shape_cast %slice3A_263 : vector<256x64xf32> to vector<1x256x64xf32>
    tpu.vector_store %arg4[%swap3A_264, %swap3A_265, %swap3A_266], %swap3A_269 {strides = array<i32>} : memref<17x256x128xf32, #tpu.memory_space<vmem>>, vector<1x256x64xf32>,
    %slice3A_270 = vector.extract_strided_slice %dot_general3A_5 {offsets = [0, 2816], sizes = [256, 64], strides = [1, 1]} : vector<256x4096xf32> to vector<256x64xf32>
    %swap3A_271 = arith.constant 12 : index
    %swap3A_272 = arith.constant 0 : index
    %swap3A_273 = arith.constant 64 : index
    %swap3A_274 = vector.load %arg4[%swap3A_271, %swap3A_272, %swap3A_273] : memref<17x256x128xf32, #tpu.memory_space<vmem>>, vector<1x256x64xf32>
    %swap3A_275 = vector.shape_cast %swap3A_274 : vector<1x256x64xf32> to vector<256x64xf32>
    %swap3A_276 = vector.shape_cast %slice3A_270 : vector<256x64xf32> to vector<1x256x64xf32>
    tpu.vector_store %arg4[%swap3A_271, %swap3A_272, %swap3A_273], %swap3A_276 {strides = array<i32>} : memref<17x256x128xf32, #tpu.memory_space<vmem>>, vector<1x256x64xf32>,
    %slice3A_277 = vector.extract_strided_slice %dot_general3A_5 {offsets = [0, 832], sizes = [256, 64], strides = [1, 1]} : vector<256x4096xf32> to vector<256x64xf32>
    %swap3A_278 = arith.constant 13 : index
    %swap3A_279 = arith.constant 0 : index
    %swap3A_280 = arith.constant 0 : index
    %swap3A_281 = vector.load %arg3[%swap3A_278, %swap3A_279, %swap3A_280] : memref<16x256x64xf32, #tpu.memory_space<vmem>>, vector<1x256x64xf32>
    %swap3A_282 = vector.shape_cast %swap3A_281 : vector<1x256x64xf32> to vector<256x64xf32>
    %swap3A_283 = vector.shape_cast %slice3A_277 : vector<256x64xf32> to vector<1x256x64xf32>
    tpu.vector_store %arg3[%swap3A_278, %swap3A_279, %swap3A_280], %swap3A_283 {strides = array<i32>} : memref<16x256x64xf32, #tpu.memory_space<vmem>>, vector<1x256x64xf32>,
    %slice3A_284 = vector.extract_strided_slice %dot_general3A_5 {offsets = [0, 1856], sizes = [256, 64], strides = [1, 1]} : vector<256x4096xf32> to vector<256x64xf32>
    %swap3A_285 = arith.constant 13 : index
    %swap3A_286 = arith.constant 0 : index
    %swap3A_287 = arith.constant 0 : index
    %swap3A_288 = vector.load %arg4[%swap3A_285, %swap3A_286, %swap3A_287] : memref<17x256x128xf32, #tpu.memory_space<vmem>>, vector<1x256x64xf32>
    %swap3A_289 = vector.shape_cast %swap3A_288 : vector<1x256x64xf32> to vector<256x64xf32>
    %swap3A_290 = vector.shape_cast %slice3A_284 : vector<256x64xf32> to vector<1x256x64xf32>
    tpu.vector_store %arg4[%swap3A_285, %swap3A_286, %swap3A_287], %swap3A_290 {strides = array<i32>} : memref<17x256x128xf32, #tpu.memory_space<vmem>>, vector<1x256x64xf32>,
    %slice3A_291 = vector.extract_strided_slice %dot_general3A_5 {offsets = [0, 2880], sizes = [256, 64], strides = [1, 1]} : vector<256x4096xf32> to vector<256x64xf32>
    %swap3A_292 = arith.constant 13 : index
    %swap3A_293 = arith.constant 0 : index
    %swap3A_294 = arith.constant 64 : index
    %swap3A_295 = vector.load %arg4[%swap3A_292, %swap3A_293, %swap3A_294] : memref<17x256x128xf32, #tpu.memory_space<vmem>>, vector<1x256x64xf32>
    %swap3A_296 = vector.shape_cast %swap3A_295 : vector<1x256x64xf32> to vector<256x64xf32>
    %swap3A_297 = vector.shape_cast %slice3A_291 : vector<256x64xf32> to vector<1x256x64xf32>
    tpu.vector_store %arg4[%swap3A_292, %swap3A_293, %swap3A_294], %swap3A_297 {strides = array<i32>} : memref<17x256x128xf32, #tpu.memory_space<vmem>>, vector<1x256x64xf32>,
    %slice3A_298 = vector.extract_strided_slice %dot_general3A_5 {offsets = [0, 896], sizes = [256, 64], strides = [1, 1]} : vector<256x4096xf32> to vector<256x64xf32>
    %swap3A_299 = arith.constant 14 : index
    %swap3A_300 = arith.constant 0 : index
    %swap3A_301 = arith.constant 0 : index
    %swap3A_302 = vector.load %arg3[%swap3A_299, %swap3A_300, %swap3A_301] : memref<16x256x64xf32, #tpu.memory_space<vmem>>, vector<1x256x64xf32>
    %swap3A_303 = vector.shape_cast %swap3A_302 : vector<1x256x64xf32> to vector<256x64xf32>
    %swap3A_304 = vector.shape_cast %slice3A_298 : vector<256x64xf32> to vector<1x256x64xf32>
    tpu.vector_store %arg3[%swap3A_299, %swap3A_300, %swap3A_301], %swap3A_304 {strides = array<i32>} : memref<16x256x64xf32, #tpu.memory_space<vmem>>, vector<1x256x64xf32>,
    %slice3A_305 = vector.extract_strided_slice %dot_general3A_5 {offsets = [0, 1920], sizes = [256, 64], strides = [1, 1]} : vector<256x4096xf32> to vector<256x64xf32>
    %swap3A_306 = arith.constant 14 : index
    %swap3A_307 = arith.constant 0 : index
    %swap3A_308 = arith.constant 0 : index
    %swap3A_309 = vector.load %arg4[%swap3A_306, %swap3A_307, %swap3A_308] : memref<17x256x128xf32, #tpu.memory_space<vmem>>, vector<1x256x64xf32>
    %swap3A_310 = vector.shape_cast %swap3A_309 : vector<1x256x64xf32> to vector<256x64xf32>
    %swap3A_311 = vector.shape_cast %slice3A_305 : vector<256x64xf32> to vector<1x256x64xf32>
    tpu.vector_store %arg4[%swap3A_306, %swap3A_307, %swap3A_308], %swap3A_311 {strides = array<i32>} : memref<17x256x128xf32, #tpu.memory_space<vmem>>, vector<1x256x64xf32>,
    %slice3A_312 = vector.extract_strided_slice %dot_general3A_5 {offsets = [0, 2944], sizes = [256, 64], strides = [1, 1]} : vector<256x4096xf32> to vector<256x64xf32>
    %swap3A_313 = arith.constant 14 : index
    %swap3A_314 = arith.constant 0 : index
    %swap3A_315 = arith.constant 64 : index
    %swap3A_316 = vector.load %arg4[%swap3A_313, %swap3A_314, %swap3A_315] : memref<17x256x128xf32, #tpu.memory_space<vmem>>, vector<1x256x64xf32>
    %swap3A_317 = vector.shape_cast %swap3A_316 : vector<1x256x64xf32> to vector<256x64xf32>
    %swap3A_318 = vector.shape_cast %slice3A_312 : vector<256x64xf32> to vector<1x256x64xf32>
    tpu.vector_store %arg4[%swap3A_313, %swap3A_314, %swap3A_315], %swap3A_318 {strides = array<i32>} : memref<17x256x128xf32, #tpu.memory_space<vmem>>, vector<1x256x64xf32>,
    %slice3A_319 = vector.extract_strided_slice %dot_general3A_5 {offsets = [0, 960], sizes = [256, 64], strides = [1, 1]} : vector<256x4096xf32> to vector<256x64xf32>
    %swap3A_320 = arith.constant 15 : index
    %swap3A_321 = arith.constant 0 : index
    %swap3A_322 = arith.constant 0 : index
    %swap3A_323 = vector.load %arg3[%swap3A_320, %swap3A_321, %swap3A_322] : memref<16x256x64xf32, #tpu.memory_space<vmem>>, vector<1x256x64xf32>
    %swap3A_324 = vector.shape_cast %swap3A_323 : vector<1x256x64xf32> to vector<256x64xf32>
    %swap3A_325 = vector.shape_cast %slice3A_319 : vector<256x64xf32> to vector<1x256x64xf32>
    tpu.vector_store %arg3[%swap3A_320, %swap3A_321, %swap3A_322], %swap3A_325 {strides = array<i32>} : memref<16x256x64xf32, #tpu.memory_space<vmem>>, vector<1x256x64xf32>,
    %slice3A_326 = vector.extract_strided_slice %dot_general3A_5 {offsets = [0, 1984], sizes = [256, 64], strides = [1, 1]} : vector<256x4096xf32> to vector<256x64xf32>
    %swap3A_327 = arith.constant 15 : index
    %swap3A_328 = arith.constant 0 : index
    %swap3A_329 = arith.constant 0 : index
    %swap3A_330 = vector.load %arg4[%swap3A_327, %swap3A_328, %swap3A_329] : memref<17x256x128xf32, #tpu.memory_space<vmem>>, vector<1x256x64xf32>
    %swap3A_331 = vector.shape_cast %swap3A_330 : vector<1x256x64xf32> to vector<256x64xf32>
    %swap3A_332 = vector.shape_cast %slice3A_326 : vector<256x64xf32> to vector<1x256x64xf32>
    tpu.vector_store %arg4[%swap3A_327, %swap3A_328, %swap3A_329], %swap3A_332 {strides = array<i32>} : memref<17x256x128xf32, #tpu.memory_space<vmem>>, vector<1x256x64xf32>,
    %slice3A_333 = vector.extract_strided_slice %dot_general3A_5 {offsets = [0, 3008], sizes = [256, 64], strides = [1, 1]} : vector<256x4096xf32> to vector<256x64xf32>
    %swap3A_334 = arith.constant 15 : index
    %swap3A_335 = arith.constant 0 : index
    %swap3A_336 = arith.constant 64 : index
    %swap3A_337 = vector.load %arg4[%swap3A_334, %swap3A_335, %swap3A_336] : memref<17x256x128xf32, #tpu.memory_space<vmem>>, vector<1x256x64xf32>
    %swap3A_338 = vector.shape_cast %swap3A_337 : vector<1x256x64xf32> to vector<256x64xf32>
    %swap3A_339 = vector.shape_cast %slice3A_333 : vector<256x64xf32> to vector<1x256x64xf32>
    tpu.vector_store %arg4[%swap3A_334, %swap3A_335, %swap3A_336], %swap3A_339 {strides = array<i32>} : memref<17x256x128xf32, #tpu.memory_space<vmem>>, vector<1x256x64xf32>,
    %broadcast_in_dim3A = arith.constant 0.000000e+00 : f32
    %broadcast_in_dim3A_340 = vector.broadcast %broadcast_in_dim3A : f32 to vector<256x128xf32>
    %swap3A_341 = arith.constant 16 : index
    %swap3A_342 = arith.constant 0 : index
    %swap3A_343 = arith.constant 0 : index
    %swap3A_344 = vector.load %arg4[%swap3A_341, %swap3A_342, %swap3A_343] : memref<17x256x128xf32, #tpu.memory_space<vmem>>, vector<1x256x128xf32>
    %swap3A_345 = vector.shape_cast %swap3A_344 : vector<1x256x128xf32> to vector<256x128xf32>
    %swap3A_346 = vector.shape_cast %broadcast_in_dim3A_340 : vector<256x128xf32> to vector<1x256x128xf32>
    tpu.vector_store %arg4[%swap3A_341, %swap3A_342, %swap3A_343], %swap3A_346 {strides = array<i32>} : memref<17x256x128xf32, #tpu.memory_space<vmem>>, vector<1x256x128xf32>,
    %slice3A_347 = vector.extract_strided_slice %dot_general3A_5 {offsets = [0, 3072], sizes = [256, 1024], strides = [1, 1]} : vector<256x4096xf32> to vector<256x1024xf32>
    %swap3A_348 = arith.constant 0 : index
    %swap3A_349 = arith.constant 0 : index
    %swap3A_350 = vector.load %arg5[%swap3A_348, %swap3A_349] : memref<256x1024xf32, #tpu.memory_space<vmem>>, vector<256x1024xf32>
    tpu.vector_store %arg5[%swap3A_348, %swap3A_349], %slice3A_347 {strides = array<i32>} : memref<256x1024xf32, #tpu.memory_space<vmem>>, vector<256x1024xf32>,
    return
  }
  func.func @transform_0(%arg0: i32) -> (i32, i32) {
    %c0_i32 = arith.constant 0 : i32
    %c0_i32_0 = arith.constant 0 : i32
    return %arg0, %c0_i32 : i32, i32
  }
  func.func @transform_1(%arg0: i32) -> (i32, i32) {
    %c0_i32 = arith.constant 0 : i32
    %c0_i32_0 = arith.constant 0 : i32
    %c0_i32_1 = arith.constant 0 : i32
    return %c0_i32, %c0_i32_0 : i32, i32
  }
  func.func @transform_2(%arg0: i32) -> (i32, i32, i32) {
    %c0_i32 = arith.constant 0 : i32
    %c0_i32_0 = arith.constant 0 : i32
    %c0_i32_1 = arith.constant 0 : i32
    return %c0_i32, %arg0, %c0_i32_0 : i32, i32, i32
  }
  func.func @transform_3(%arg0: i32) -> (i32, i32, i32) {
    %c0_i32 = arith.constant 0 : i32
    %c0_i32_0 = arith.constant 0 : i32
    %c0_i32_1 = arith.constant 0 : i32
    return %c0_i32, %arg0, %c0_i32_0 : i32, i32, i32
  }
  func.func @transform_4(%arg0: i32) -> (i32, i32) {
    %c0_i32 = arith.constant 0 : i32
    %c0_i32_0 = arith.constant 0 : i32
    return %arg0, %c0_i32 : i32, i32
  }
}

module attributes {stable_mosaic.version = 14 : i64} {
  func.func @_head_kernel(%arg0: i32, %arg1: memref<1x2048x64xf32, #tpu.memory_space<vmem>>, %arg2: memref<1x2048x128xf32, #tpu.memory_space<vmem>>, %arg3: memref<1x2048x64xf32, #tpu.memory_space<vmem>>, %arg4: memref<1x8x256xi32, #tpu.memory_space<vmem>>) attributes {dimension_semantics = [#tpu.dimension_semantics<arbitrary>], iteration_bounds = array<i64: 16>, scalar_prefetch = 0 : i64, scratch_operands = 0 : i64, tpu.core_type = #tpu.core_type<tc>, window_params = [{transform_indices = @transform_0, window_bounds = array<i64: 1, 2048, 64>}, {transform_indices = @transform_1, window_bounds = array<i64: 1, 2048, 128>}, {transform_indices = @transform_2, window_bounds = array<i64: 1, 2048, 64>}, {transform_indices = @transform_3, window_bounds = array<i64: 1, 8, 256>}]} {
    %get3A = arith.constant 0 : index
    %get3A_0 = arith.constant 0 : index
    %get3A_1 = arith.constant 0 : index
    %get3A_2 = vector.load %arg2[%get3A, %get3A_0, %get3A_1] : memref<1x2048x128xf32, #tpu.memory_space<vmem>>, vector<1x2048x64xf32>
    %get3A_3 = vector.shape_cast %get3A_2 : vector<1x2048x64xf32> to vector<2048x64xf32>
    %get3A_4 = arith.constant 0 : index
    %get3A_5 = arith.constant 0 : index
    %get3A_6 = arith.constant 64 : index
    %get3A_7 = vector.load %arg2[%get3A_4, %get3A_5, %get3A_6] : memref<1x2048x128xf32, #tpu.memory_space<vmem>>, vector<1x2048x64xf32>
    %get3A_8 = vector.shape_cast %get3A_7 : vector<1x2048x64xf32> to vector<2048x64xf32>
    %get3A_9 = arith.constant 0 : index
    %get3A_10 = arith.constant 0 : index
    %get3A_11 = arith.constant 0 : index
    %get3A_12 = vector.load %arg1[%get3A_9, %get3A_10, %get3A_11] : memref<1x2048x64xf32, #tpu.memory_space<vmem>>, vector<1x512x64xf32>
    %get3A_13 = vector.shape_cast %get3A_12 : vector<1x512x64xf32> to vector<512x64xf32>
    %dot_general3A = arith.constant dense<0.000000e+00> : vector<512x2048xf32>
    %dot_general3A_14 = tpu.matmul %get3A_13, %get3A_3, %dot_general3A {dimension_numbers = #tpu.dot_dimension_numbers<[1], [1], [0], [0], [0, 0, 1, 0], [], []>, transpose_lhs_hint = false} : vector<512x64xf32>, vector<2048x64xf32>, vector<512x2048xf32> -> vector<512x2048xf32>
    %reduce_max3A = arith.constant dense<0xFF800000> : vector<512xf32>
    %reduce_max3A_15 = vector.multi_reduction <maximumf>, %dot_general3A_14, %reduce_max3A [1] : vector<512x2048xf32> to vector<512xf32>
    %broadcast_in_dim3A = vector.shape_cast %reduce_max3A_15 : vector<512xf32> to vector<512x1xf32>
    %mul3A = arith.constant 0.180336878 : f32
    %mul3A_16 = vector.broadcast %mul3A : f32 to vector<512x2048xf32>
    %mul3A_17 = arith.mulf %dot_general3A_14, %mul3A_16 : vector<512x2048xf32>
    %mul3A_18 = arith.constant 0.180336878 : f32
    %mul3A_19 = vector.broadcast %mul3A_18 : f32 to vector<512x1xf32>
    %mul3A_20 = arith.mulf %broadcast_in_dim3A, %mul3A_19 : vector<512x1xf32>
    %sub3A = vector.broadcast %mul3A_20 : vector<512x1xf32> to vector<512x2048xf32>
    %sub3A_21 = arith.subf %mul3A_17, %sub3A : vector<512x2048xf32>
    %exp23A = math.exp2 %sub3A_21 : vector<512x2048xf32>
    %reduce_sum3A = arith.constant dense<0.000000e+00> : vector<512xf32>
    %reduce_sum3A_22 = vector.multi_reduction <add>, %exp23A, %reduce_sum3A [1] : vector<512x2048xf32> to vector<512xf32>
    %broadcast_in_dim3A_23 = vector.shape_cast %reduce_sum3A_22 : vector<512xf32> to vector<512x1xf32>
    %dot_general3A_24 = arith.constant dense<0.000000e+00> : vector<512x64xf32>
    %dot_general3A_25 = tpu.matmul %exp23A, %get3A_8, %dot_general3A_24 {dimension_numbers = #tpu.dot_dimension_numbers<[1], [0], [0], [1], [0, 0, 1, 1], [], []>, transpose_lhs_hint = false} : vector<512x2048xf32>, vector<2048x64xf32>, vector<512x64xf32> -> vector<512x64xf32>
    %div3A = vector.broadcast %broadcast_in_dim3A_23 : vector<512x1xf32> to vector<512x64xf32>
    %div3A_26 = arith.divf %dot_general3A_25, %div3A : vector<512x64xf32>
    %swap3A = arith.constant 0 : index
    %swap3A_27 = arith.constant 0 : index
    %swap3A_28 = arith.constant 0 : index
    %swap3A_29 = vector.load %arg3[%swap3A, %swap3A_27, %swap3A_28] : memref<1x2048x64xf32, #tpu.memory_space<vmem>>, vector<1x512x64xf32>
    %swap3A_30 = vector.shape_cast %swap3A_29 : vector<1x512x64xf32> to vector<512x64xf32>
    %swap3A_31 = vector.shape_cast %div3A_26 : vector<512x64xf32> to vector<1x512x64xf32>
    tpu.vector_store %arg3[%swap3A, %swap3A_27, %swap3A_28], %swap3A_31 {strides = array<i32>} : memref<1x2048x64xf32, #tpu.memory_space<vmem>>, vector<1x512x64xf32>,
    %iota3A = tpu.iota {dimensions = array<i32: 1>} : vector<512x2048xi32>
    %eq3A = vector.broadcast %broadcast_in_dim3A : vector<512x1xf32> to vector<512x2048xf32>
    %eq3A_32 = arith.cmpf oeq, %dot_general3A_14, %eq3A : vector<512x2048xf32>
    %jit3A = arith.constant 4096 : i32
    %broadcast_in_dim3A_33 = vector.broadcast %jit3A : i32 to vector<512x2048xi32>
    %select_n3A = arith.select %eq3A_32, %iota3A, %broadcast_in_dim3A_33 : vector<512x2048xi1>, vector<512x2048xi32>
    %reduce_min3A = arith.constant dense<2147483647> : vector<512xi32>
    %reduce_min3A_34 = vector.multi_reduction <minsi>, %select_n3A, %reduce_min3A [1] : vector<512x2048xi32> to vector<512xi32>
    %broadcast_in_dim3A_35 = vector.shape_cast %reduce_min3A_34 : vector<512xi32> to vector<512x1xi32>
    %gt3A = arith.constant 0.000000e+00 : f32
    %gt3A_36 = vector.broadcast %gt3A : f32 to vector<512x1xf32>
    %gt3A_37 = arith.cmpf ogt, %broadcast_in_dim3A, %gt3A_36 : vector<512x1xf32>
    %mul3A_38 = arith.constant 2048 : i32
    %mul3A_39 = arith.muli %arg0, %mul3A_38 : i32
    %add3A = vector.broadcast %mul3A_39 : i32 to vector<512x1xi32>
    %add3A_40 = arith.addi %add3A, %broadcast_in_dim3A_35 : vector<512x1xi32>
    %jit3A_41 = arith.constant 32768 : i32
    %broadcast_in_dim3A_42 = vector.broadcast %jit3A_41 : i32 to vector<512x1xi32>
    %select_n3A_43 = arith.select %gt3A_37, %add3A_40, %broadcast_in_dim3A_42 : vector<512x1xi1>, vector<512x1xi32>
    %reshape3A = vector.shape_cast %select_n3A_43 : vector<512x1xi32> to vector<2x256xi32>
    %swap3A_44 = arith.constant 0 : index
    %swap3A_45 = arith.constant 0 : index
    %swap3A_46 = arith.constant 0 : index
    %swap3A_47 = vector.load %arg4[%swap3A_44, %swap3A_45, %swap3A_46] : memref<1x8x256xi32, #tpu.memory_space<vmem>>, vector<1x2x256xi32>
    %swap3A_48 = vector.shape_cast %swap3A_47 : vector<1x2x256xi32> to vector<2x256xi32>
    %swap3A_49 = vector.shape_cast %reshape3A : vector<2x256xi32> to vector<1x2x256xi32>
    tpu.vector_store %arg4[%swap3A_44, %swap3A_45, %swap3A_46], %swap3A_49 {strides = array<i32>} : memref<1x8x256xi32, #tpu.memory_space<vmem>>, vector<1x2x256xi32>,
    %get3A_50 = arith.constant 0 : index
    %get3A_51 = arith.constant 512 : index
    %get3A_52 = arith.constant 0 : index
    %get3A_53 = vector.load %arg1[%get3A_50, %get3A_51, %get3A_52] : memref<1x2048x64xf32, #tpu.memory_space<vmem>>, vector<1x512x64xf32>
    %get3A_54 = vector.shape_cast %get3A_53 : vector<1x512x64xf32> to vector<512x64xf32>
    %dot_general3A_55 = arith.constant dense<0.000000e+00> : vector<512x2048xf32>
    %dot_general3A_56 = tpu.matmul %get3A_54, %get3A_3, %dot_general3A_55 {dimension_numbers = #tpu.dot_dimension_numbers<[1], [1], [0], [0], [0, 0, 1, 0], [], []>, transpose_lhs_hint = false} : vector<512x64xf32>, vector<2048x64xf32>, vector<512x2048xf32> -> vector<512x2048xf32>
    %reduce_max3A_57 = arith.constant dense<0xFF800000> : vector<512xf32>
    %reduce_max3A_58 = vector.multi_reduction <maximumf>, %dot_general3A_56, %reduce_max3A_57 [1] : vector<512x2048xf32> to vector<512xf32>
    %broadcast_in_dim3A_59 = vector.shape_cast %reduce_max3A_58 : vector<512xf32> to vector<512x1xf32>
    %mul3A_60 = arith.constant 0.180336878 : f32
    %mul3A_61 = vector.broadcast %mul3A_60 : f32 to vector<512x2048xf32>
    %mul3A_62 = arith.mulf %dot_general3A_56, %mul3A_61 : vector<512x2048xf32>
    %mul3A_63 = arith.constant 0.180336878 : f32
    %mul3A_64 = vector.broadcast %mul3A_63 : f32 to vector<512x1xf32>
    %mul3A_65 = arith.mulf %broadcast_in_dim3A_59, %mul3A_64 : vector<512x1xf32>
    %sub3A_66 = vector.broadcast %mul3A_65 : vector<512x1xf32> to vector<512x2048xf32>
    %sub3A_67 = arith.subf %mul3A_62, %sub3A_66 : vector<512x2048xf32>
    %exp23A_68 = math.exp2 %sub3A_67 : vector<512x2048xf32>
    %reduce_sum3A_69 = arith.constant dense<0.000000e+00> : vector<512xf32>
    %reduce_sum3A_70 = vector.multi_reduction <add>, %exp23A_68, %reduce_sum3A_69 [1] : vector<512x2048xf32> to vector<512xf32>
    %broadcast_in_dim3A_71 = vector.shape_cast %reduce_sum3A_70 : vector<512xf32> to vector<512x1xf32>
    %dot_general3A_72 = arith.constant dense<0.000000e+00> : vector<512x64xf32>
    %dot_general3A_73 = tpu.matmul %exp23A_68, %get3A_8, %dot_general3A_72 {dimension_numbers = #tpu.dot_dimension_numbers<[1], [0], [0], [1], [0, 0, 1, 1], [], []>, transpose_lhs_hint = false} : vector<512x2048xf32>, vector<2048x64xf32>, vector<512x64xf32> -> vector<512x64xf32>
    %div3A_74 = vector.broadcast %broadcast_in_dim3A_71 : vector<512x1xf32> to vector<512x64xf32>
    %div3A_75 = arith.divf %dot_general3A_73, %div3A_74 : vector<512x64xf32>
    %swap3A_76 = arith.constant 0 : index
    %swap3A_77 = arith.constant 512 : index
    %swap3A_78 = arith.constant 0 : index
    %swap3A_79 = vector.load %arg3[%swap3A_76, %swap3A_77, %swap3A_78] : memref<1x2048x64xf32, #tpu.memory_space<vmem>>, vector<1x512x64xf32>
    %swap3A_80 = vector.shape_cast %swap3A_79 : vector<1x512x64xf32> to vector<512x64xf32>
    %swap3A_81 = vector.shape_cast %div3A_75 : vector<512x64xf32> to vector<1x512x64xf32>
    tpu.vector_store %arg3[%swap3A_76, %swap3A_77, %swap3A_78], %swap3A_81 {strides = array<i32>} : memref<1x2048x64xf32, #tpu.memory_space<vmem>>, vector<1x512x64xf32>,
    %iota3A_82 = tpu.iota {dimensions = array<i32: 1>} : vector<512x2048xi32>
    %eq3A_83 = vector.broadcast %broadcast_in_dim3A_59 : vector<512x1xf32> to vector<512x2048xf32>
    %eq3A_84 = arith.cmpf oeq, %dot_general3A_56, %eq3A_83 : vector<512x2048xf32>
    %jit3A_85 = arith.constant 4096 : i32
    %broadcast_in_dim3A_86 = vector.broadcast %jit3A_85 : i32 to vector<512x2048xi32>
    %select_n3A_87 = arith.select %eq3A_84, %iota3A_82, %broadcast_in_dim3A_86 : vector<512x2048xi1>, vector<512x2048xi32>
    %reduce_min3A_88 = arith.constant dense<2147483647> : vector<512xi32>
    %reduce_min3A_89 = vector.multi_reduction <minsi>, %select_n3A_87, %reduce_min3A_88 [1] : vector<512x2048xi32> to vector<512xi32>
    %broadcast_in_dim3A_90 = vector.shape_cast %reduce_min3A_89 : vector<512xi32> to vector<512x1xi32>
    %gt3A_91 = arith.constant 0.000000e+00 : f32
    %gt3A_92 = vector.broadcast %gt3A_91 : f32 to vector<512x1xf32>
    %gt3A_93 = arith.cmpf ogt, %broadcast_in_dim3A_59, %gt3A_92 : vector<512x1xf32>
    %mul3A_94 = arith.constant 2048 : i32
    %mul3A_95 = arith.muli %arg0, %mul3A_94 : i32
    %add3A_96 = vector.broadcast %mul3A_95 : i32 to vector<512x1xi32>
    %add3A_97 = arith.addi %add3A_96, %broadcast_in_dim3A_90 : vector<512x1xi32>
    %jit3A_98 = arith.constant 32768 : i32
    %broadcast_in_dim3A_99 = vector.broadcast %jit3A_98 : i32 to vector<512x1xi32>
    %select_n3A_100 = arith.select %gt3A_93, %add3A_97, %broadcast_in_dim3A_99 : vector<512x1xi1>, vector<512x1xi32>
    %reshape3A_101 = vector.shape_cast %select_n3A_100 : vector<512x1xi32> to vector<2x256xi32>
    %swap3A_102 = arith.constant 0 : index
    %swap3A_103 = arith.constant 2 : index
    %swap3A_104 = arith.constant 0 : index
    %swap3A_105 = vector.load %arg4[%swap3A_102, %swap3A_103, %swap3A_104] : memref<1x8x256xi32, #tpu.memory_space<vmem>>, vector<1x2x256xi32>
    %swap3A_106 = vector.shape_cast %swap3A_105 : vector<1x2x256xi32> to vector<2x256xi32>
    %swap3A_107 = vector.shape_cast %reshape3A_101 : vector<2x256xi32> to vector<1x2x256xi32>
    tpu.vector_store %arg4[%swap3A_102, %swap3A_103, %swap3A_104], %swap3A_107 {strides = array<i32>} : memref<1x8x256xi32, #tpu.memory_space<vmem>>, vector<1x2x256xi32>,
    %get3A_108 = arith.constant 0 : index
    %get3A_109 = arith.constant 1024 : index
    %get3A_110 = arith.constant 0 : index
    %get3A_111 = vector.load %arg1[%get3A_108, %get3A_109, %get3A_110] : memref<1x2048x64xf32, #tpu.memory_space<vmem>>, vector<1x512x64xf32>
    %get3A_112 = vector.shape_cast %get3A_111 : vector<1x512x64xf32> to vector<512x64xf32>
    %dot_general3A_113 = arith.constant dense<0.000000e+00> : vector<512x2048xf32>
    %dot_general3A_114 = tpu.matmul %get3A_112, %get3A_3, %dot_general3A_113 {dimension_numbers = #tpu.dot_dimension_numbers<[1], [1], [0], [0], [0, 0, 1, 0], [], []>, transpose_lhs_hint = false} : vector<512x64xf32>, vector<2048x64xf32>, vector<512x2048xf32> -> vector<512x2048xf32>
    %reduce_max3A_115 = arith.constant dense<0xFF800000> : vector<512xf32>
    %reduce_max3A_116 = vector.multi_reduction <maximumf>, %dot_general3A_114, %reduce_max3A_115 [1] : vector<512x2048xf32> to vector<512xf32>
    %broadcast_in_dim3A_117 = vector.shape_cast %reduce_max3A_116 : vector<512xf32> to vector<512x1xf32>
    %mul3A_118 = arith.constant 0.180336878 : f32
    %mul3A_119 = vector.broadcast %mul3A_118 : f32 to vector<512x2048xf32>
    %mul3A_120 = arith.mulf %dot_general3A_114, %mul3A_119 : vector<512x2048xf32>
    %mul3A_121 = arith.constant 0.180336878 : f32
    %mul3A_122 = vector.broadcast %mul3A_121 : f32 to vector<512x1xf32>
    %mul3A_123 = arith.mulf %broadcast_in_dim3A_117, %mul3A_122 : vector<512x1xf32>
    %sub3A_124 = vector.broadcast %mul3A_123 : vector<512x1xf32> to vector<512x2048xf32>
    %sub3A_125 = arith.subf %mul3A_120, %sub3A_124 : vector<512x2048xf32>
    %exp23A_126 = math.exp2 %sub3A_125 : vector<512x2048xf32>
    %reduce_sum3A_127 = arith.constant dense<0.000000e+00> : vector<512xf32>
    %reduce_sum3A_128 = vector.multi_reduction <add>, %exp23A_126, %reduce_sum3A_127 [1] : vector<512x2048xf32> to vector<512xf32>
    %broadcast_in_dim3A_129 = vector.shape_cast %reduce_sum3A_128 : vector<512xf32> to vector<512x1xf32>
    %dot_general3A_130 = arith.constant dense<0.000000e+00> : vector<512x64xf32>
    %dot_general3A_131 = tpu.matmul %exp23A_126, %get3A_8, %dot_general3A_130 {dimension_numbers = #tpu.dot_dimension_numbers<[1], [0], [0], [1], [0, 0, 1, 1], [], []>, transpose_lhs_hint = false} : vector<512x2048xf32>, vector<2048x64xf32>, vector<512x64xf32> -> vector<512x64xf32>
    %div3A_132 = vector.broadcast %broadcast_in_dim3A_129 : vector<512x1xf32> to vector<512x64xf32>
    %div3A_133 = arith.divf %dot_general3A_131, %div3A_132 : vector<512x64xf32>
    %swap3A_134 = arith.constant 0 : index
    %swap3A_135 = arith.constant 1024 : index
    %swap3A_136 = arith.constant 0 : index
    %swap3A_137 = vector.load %arg3[%swap3A_134, %swap3A_135, %swap3A_136] : memref<1x2048x64xf32, #tpu.memory_space<vmem>>, vector<1x512x64xf32>
    %swap3A_138 = vector.shape_cast %swap3A_137 : vector<1x512x64xf32> to vector<512x64xf32>
    %swap3A_139 = vector.shape_cast %div3A_133 : vector<512x64xf32> to vector<1x512x64xf32>
    tpu.vector_store %arg3[%swap3A_134, %swap3A_135, %swap3A_136], %swap3A_139 {strides = array<i32>} : memref<1x2048x64xf32, #tpu.memory_space<vmem>>, vector<1x512x64xf32>,
    %iota3A_140 = tpu.iota {dimensions = array<i32: 1>} : vector<512x2048xi32>
    %eq3A_141 = vector.broadcast %broadcast_in_dim3A_117 : vector<512x1xf32> to vector<512x2048xf32>
    %eq3A_142 = arith.cmpf oeq, %dot_general3A_114, %eq3A_141 : vector<512x2048xf32>
    %jit3A_143 = arith.constant 4096 : i32
    %broadcast_in_dim3A_144 = vector.broadcast %jit3A_143 : i32 to vector<512x2048xi32>
    %select_n3A_145 = arith.select %eq3A_142, %iota3A_140, %broadcast_in_dim3A_144 : vector<512x2048xi1>, vector<512x2048xi32>
    %reduce_min3A_146 = arith.constant dense<2147483647> : vector<512xi32>
    %reduce_min3A_147 = vector.multi_reduction <minsi>, %select_n3A_145, %reduce_min3A_146 [1] : vector<512x2048xi32> to vector<512xi32>
    %broadcast_in_dim3A_148 = vector.shape_cast %reduce_min3A_147 : vector<512xi32> to vector<512x1xi32>
    %gt3A_149 = arith.constant 0.000000e+00 : f32
    %gt3A_150 = vector.broadcast %gt3A_149 : f32 to vector<512x1xf32>
    %gt3A_151 = arith.cmpf ogt, %broadcast_in_dim3A_117, %gt3A_150 : vector<512x1xf32>
    %mul3A_152 = arith.constant 2048 : i32
    %mul3A_153 = arith.muli %arg0, %mul3A_152 : i32
    %add3A_154 = vector.broadcast %mul3A_153 : i32 to vector<512x1xi32>
    %add3A_155 = arith.addi %add3A_154, %broadcast_in_dim3A_148 : vector<512x1xi32>
    %jit3A_156 = arith.constant 32768 : i32
    %broadcast_in_dim3A_157 = vector.broadcast %jit3A_156 : i32 to vector<512x1xi32>
    %select_n3A_158 = arith.select %gt3A_151, %add3A_155, %broadcast_in_dim3A_157 : vector<512x1xi1>, vector<512x1xi32>
    %reshape3A_159 = vector.shape_cast %select_n3A_158 : vector<512x1xi32> to vector<2x256xi32>
    %swap3A_160 = arith.constant 0 : index
    %swap3A_161 = arith.constant 4 : index
    %swap3A_162 = arith.constant 0 : index
    %swap3A_163 = vector.load %arg4[%swap3A_160, %swap3A_161, %swap3A_162] : memref<1x8x256xi32, #tpu.memory_space<vmem>>, vector<1x2x256xi32>
    %swap3A_164 = vector.shape_cast %swap3A_163 : vector<1x2x256xi32> to vector<2x256xi32>
    %swap3A_165 = vector.shape_cast %reshape3A_159 : vector<2x256xi32> to vector<1x2x256xi32>
    tpu.vector_store %arg4[%swap3A_160, %swap3A_161, %swap3A_162], %swap3A_165 {strides = array<i32>} : memref<1x8x256xi32, #tpu.memory_space<vmem>>, vector<1x2x256xi32>,
    %get3A_166 = arith.constant 0 : index
    %get3A_167 = arith.constant 1536 : index
    %get3A_168 = arith.constant 0 : index
    %get3A_169 = vector.load %arg1[%get3A_166, %get3A_167, %get3A_168] : memref<1x2048x64xf32, #tpu.memory_space<vmem>>, vector<1x512x64xf32>
    %get3A_170 = vector.shape_cast %get3A_169 : vector<1x512x64xf32> to vector<512x64xf32>
    %dot_general3A_171 = arith.constant dense<0.000000e+00> : vector<512x2048xf32>
    %dot_general3A_172 = tpu.matmul %get3A_170, %get3A_3, %dot_general3A_171 {dimension_numbers = #tpu.dot_dimension_numbers<[1], [1], [0], [0], [0, 0, 1, 0], [], []>, transpose_lhs_hint = false} : vector<512x64xf32>, vector<2048x64xf32>, vector<512x2048xf32> -> vector<512x2048xf32>
    %reduce_max3A_173 = arith.constant dense<0xFF800000> : vector<512xf32>
    %reduce_max3A_174 = vector.multi_reduction <maximumf>, %dot_general3A_172, %reduce_max3A_173 [1] : vector<512x2048xf32> to vector<512xf32>
    %broadcast_in_dim3A_175 = vector.shape_cast %reduce_max3A_174 : vector<512xf32> to vector<512x1xf32>
    %mul3A_176 = arith.constant 0.180336878 : f32
    %mul3A_177 = vector.broadcast %mul3A_176 : f32 to vector<512x2048xf32>
    %mul3A_178 = arith.mulf %dot_general3A_172, %mul3A_177 : vector<512x2048xf32>
    %mul3A_179 = arith.constant 0.180336878 : f32
    %mul3A_180 = vector.broadcast %mul3A_179 : f32 to vector<512x1xf32>
    %mul3A_181 = arith.mulf %broadcast_in_dim3A_175, %mul3A_180 : vector<512x1xf32>
    %sub3A_182 = vector.broadcast %mul3A_181 : vector<512x1xf32> to vector<512x2048xf32>
    %sub3A_183 = arith.subf %mul3A_178, %sub3A_182 : vector<512x2048xf32>
    %exp23A_184 = math.exp2 %sub3A_183 : vector<512x2048xf32>
    %reduce_sum3A_185 = arith.constant dense<0.000000e+00> : vector<512xf32>
    %reduce_sum3A_186 = vector.multi_reduction <add>, %exp23A_184, %reduce_sum3A_185 [1] : vector<512x2048xf32> to vector<512xf32>
    %broadcast_in_dim3A_187 = vector.shape_cast %reduce_sum3A_186 : vector<512xf32> to vector<512x1xf32>
    %dot_general3A_188 = arith.constant dense<0.000000e+00> : vector<512x64xf32>
    %dot_general3A_189 = tpu.matmul %exp23A_184, %get3A_8, %dot_general3A_188 {dimension_numbers = #tpu.dot_dimension_numbers<[1], [0], [0], [1], [0, 0, 1, 1], [], []>, transpose_lhs_hint = false} : vector<512x2048xf32>, vector<2048x64xf32>, vector<512x64xf32> -> vector<512x64xf32>
    %div3A_190 = vector.broadcast %broadcast_in_dim3A_187 : vector<512x1xf32> to vector<512x64xf32>
    %div3A_191 = arith.divf %dot_general3A_189, %div3A_190 : vector<512x64xf32>
    %swap3A_192 = arith.constant 0 : index
    %swap3A_193 = arith.constant 1536 : index
    %swap3A_194 = arith.constant 0 : index
    %swap3A_195 = vector.load %arg3[%swap3A_192, %swap3A_193, %swap3A_194] : memref<1x2048x64xf32, #tpu.memory_space<vmem>>, vector<1x512x64xf32>
    %swap3A_196 = vector.shape_cast %swap3A_195 : vector<1x512x64xf32> to vector<512x64xf32>
    %swap3A_197 = vector.shape_cast %div3A_191 : vector<512x64xf32> to vector<1x512x64xf32>
    tpu.vector_store %arg3[%swap3A_192, %swap3A_193, %swap3A_194], %swap3A_197 {strides = array<i32>} : memref<1x2048x64xf32, #tpu.memory_space<vmem>>, vector<1x512x64xf32>,
    %iota3A_198 = tpu.iota {dimensions = array<i32: 1>} : vector<512x2048xi32>
    %eq3A_199 = vector.broadcast %broadcast_in_dim3A_175 : vector<512x1xf32> to vector<512x2048xf32>
    %eq3A_200 = arith.cmpf oeq, %dot_general3A_172, %eq3A_199 : vector<512x2048xf32>
    %jit3A_201 = arith.constant 4096 : i32
    %broadcast_in_dim3A_202 = vector.broadcast %jit3A_201 : i32 to vector<512x2048xi32>
    %select_n3A_203 = arith.select %eq3A_200, %iota3A_198, %broadcast_in_dim3A_202 : vector<512x2048xi1>, vector<512x2048xi32>
    %reduce_min3A_204 = arith.constant dense<2147483647> : vector<512xi32>
    %reduce_min3A_205 = vector.multi_reduction <minsi>, %select_n3A_203, %reduce_min3A_204 [1] : vector<512x2048xi32> to vector<512xi32>
    %broadcast_in_dim3A_206 = vector.shape_cast %reduce_min3A_205 : vector<512xi32> to vector<512x1xi32>
    %gt3A_207 = arith.constant 0.000000e+00 : f32
    %gt3A_208 = vector.broadcast %gt3A_207 : f32 to vector<512x1xf32>
    %gt3A_209 = arith.cmpf ogt, %broadcast_in_dim3A_175, %gt3A_208 : vector<512x1xf32>
    %mul3A_210 = arith.constant 2048 : i32
    %mul3A_211 = arith.muli %arg0, %mul3A_210 : i32
    %add3A_212 = vector.broadcast %mul3A_211 : i32 to vector<512x1xi32>
    %add3A_213 = arith.addi %add3A_212, %broadcast_in_dim3A_206 : vector<512x1xi32>
    %jit3A_214 = arith.constant 32768 : i32
    %broadcast_in_dim3A_215 = vector.broadcast %jit3A_214 : i32 to vector<512x1xi32>
    %select_n3A_216 = arith.select %gt3A_209, %add3A_213, %broadcast_in_dim3A_215 : vector<512x1xi1>, vector<512x1xi32>
    %reshape3A_217 = vector.shape_cast %select_n3A_216 : vector<512x1xi32> to vector<2x256xi32>
    %swap3A_218 = arith.constant 0 : index
    %swap3A_219 = arith.constant 6 : index
    %swap3A_220 = arith.constant 0 : index
    %swap3A_221 = vector.load %arg4[%swap3A_218, %swap3A_219, %swap3A_220] : memref<1x8x256xi32, #tpu.memory_space<vmem>>, vector<1x2x256xi32>
    %swap3A_222 = vector.shape_cast %swap3A_221 : vector<1x2x256xi32> to vector<2x256xi32>
    %swap3A_223 = vector.shape_cast %reshape3A_217 : vector<2x256xi32> to vector<1x2x256xi32>
    tpu.vector_store %arg4[%swap3A_218, %swap3A_219, %swap3A_220], %swap3A_223 {strides = array<i32>} : memref<1x8x256xi32, #tpu.memory_space<vmem>>, vector<1x2x256xi32>,
    return
  }
  func.func @transform_0(%arg0: i32) -> (i32, i32, i32) {
    %c0_i32 = arith.constant 0 : i32
    %c0_i32_0 = arith.constant 0 : i32
    %c0_i32_1 = arith.constant 0 : i32
    return %arg0, %c0_i32, %c0_i32_0 : i32, i32, i32
  }
  func.func @transform_1(%arg0: i32) -> (i32, i32, i32) {
    %c0_i32 = arith.constant 0 : i32
    %c0_i32_0 = arith.constant 0 : i32
    %c0_i32_1 = arith.constant 0 : i32
    return %arg0, %c0_i32, %c0_i32_0 : i32, i32, i32
  }
  func.func @transform_2(%arg0: i32) -> (i32, i32, i32) {
    %c0_i32 = arith.constant 0 : i32
    %c0_i32_0 = arith.constant 0 : i32
    %c0_i32_1 = arith.constant 0 : i32
    return %arg0, %c0_i32, %c0_i32_0 : i32, i32, i32
  }
  func.func @transform_3(%arg0: i32) -> (i32, i32, i32) {
    %c0_i32 = arith.constant 0 : i32
    %c0_i32_0 = arith.constant 0 : i32
    %c0_i32_1 = arith.constant 0 : i32
    return %arg0, %c0_i32, %c0_i32_0 : i32, i32, i32
  }
}

module attributes {stable_mosaic.version = 14 : i64} {
  func.func @_branch2_kernel(%arg0: i32, %arg1: memref<1x2048x64xf32, #tpu.memory_space<vmem>>, %arg2: memref<1x2048x128xf32, #tpu.memory_space<vmem>>, %arg3: memref<1x2048x64xf32, #tpu.memory_space<vmem>>) attributes {dimension_semantics = [#tpu.dimension_semantics<arbitrary>], iteration_bounds = array<i64: 16>, scalar_prefetch = 0 : i64, scratch_operands = 0 : i64, tpu.core_type = #tpu.core_type<tc>, window_params = [{transform_indices = @transform_0, window_bounds = array<i64: 1, 2048, 64>}, {transform_indices = @transform_1, window_bounds = array<i64: 1, 2048, 128>}, {transform_indices = @transform_2, window_bounds = array<i64: 1, 2048, 64>}]} {
    %get3A = arith.constant 0 : index
    %get3A_0 = arith.constant 0 : index
    %get3A_1 = arith.constant 0 : index
    %get3A_2 = vector.load %arg2[%get3A, %get3A_0, %get3A_1] : memref<1x2048x128xf32, #tpu.memory_space<vmem>>, vector<1x2048x64xf32>
    %get3A_3 = vector.shape_cast %get3A_2 : vector<1x2048x64xf32> to vector<2048x64xf32>
    %get3A_4 = arith.constant 0 : index
    %get3A_5 = arith.constant 0 : index
    %get3A_6 = arith.constant 64 : index
    %get3A_7 = vector.load %arg2[%get3A_4, %get3A_5, %get3A_6] : memref<1x2048x128xf32, #tpu.memory_space<vmem>>, vector<1x2048x64xf32>
    %get3A_8 = vector.shape_cast %get3A_7 : vector<1x2048x64xf32> to vector<2048x64xf32>
    %get3A_9 = arith.constant 0 : index
    %get3A_10 = arith.constant 0 : index
    %get3A_11 = arith.constant 0 : index
    %get3A_12 = vector.load %arg1[%get3A_9, %get3A_10, %get3A_11] : memref<1x2048x64xf32, #tpu.memory_space<vmem>>, vector<1x512x64xf32>
    %get3A_13 = vector.shape_cast %get3A_12 : vector<1x512x64xf32> to vector<512x64xf32>
    %dot_general3A = arith.constant dense<0.000000e+00> : vector<512x2048xf32>
    %dot_general3A_14 = tpu.matmul %get3A_13, %get3A_3, %dot_general3A {dimension_numbers = #tpu.dot_dimension_numbers<[1], [1], [0], [0], [0, 0, 1, 0], [], []>, transpose_lhs_hint = false} : vector<512x64xf32>, vector<2048x64xf32>, vector<512x2048xf32> -> vector<512x2048xf32>
    %reduce_max3A = arith.constant dense<0xFF800000> : vector<512xf32>
    %reduce_max3A_15 = vector.multi_reduction <maximumf>, %dot_general3A_14, %reduce_max3A [1] : vector<512x2048xf32> to vector<512xf32>
    %broadcast_in_dim3A = vector.shape_cast %reduce_max3A_15 : vector<512xf32> to vector<512x1xf32>
    %mul3A = arith.constant 0.180336878 : f32
    %mul3A_16 = vector.broadcast %mul3A : f32 to vector<512x2048xf32>
    %mul3A_17 = arith.mulf %dot_general3A_14, %mul3A_16 : vector<512x2048xf32>
    %mul3A_18 = arith.constant 0.180336878 : f32
    %mul3A_19 = vector.broadcast %mul3A_18 : f32 to vector<512x1xf32>
    %mul3A_20 = arith.mulf %broadcast_in_dim3A, %mul3A_19 : vector<512x1xf32>
    %sub3A = vector.broadcast %mul3A_20 : vector<512x1xf32> to vector<512x2048xf32>
    %sub3A_21 = arith.subf %mul3A_17, %sub3A : vector<512x2048xf32>
    %exp23A = math.exp2 %sub3A_21 : vector<512x2048xf32>
    %reduce_sum3A = arith.constant dense<0.000000e+00> : vector<512xf32>
    %reduce_sum3A_22 = vector.multi_reduction <add>, %exp23A, %reduce_sum3A [1] : vector<512x2048xf32> to vector<512xf32>
    %broadcast_in_dim3A_23 = vector.shape_cast %reduce_sum3A_22 : vector<512xf32> to vector<512x1xf32>
    %dot_general3A_24 = arith.constant dense<0.000000e+00> : vector<512x64xf32>
    %dot_general3A_25 = tpu.matmul %exp23A, %get3A_8, %dot_general3A_24 {dimension_numbers = #tpu.dot_dimension_numbers<[1], [0], [0], [1], [0, 0, 1, 1], [], []>, transpose_lhs_hint = false} : vector<512x2048xf32>, vector<2048x64xf32>, vector<512x64xf32> -> vector<512x64xf32>
    %div3A = vector.broadcast %broadcast_in_dim3A_23 : vector<512x1xf32> to vector<512x64xf32>
    %div3A_26 = arith.divf %dot_general3A_25, %div3A : vector<512x64xf32>
    %swap3A = arith.constant 0 : index
    %swap3A_27 = arith.constant 0 : index
    %swap3A_28 = arith.constant 0 : index
    %swap3A_29 = vector.load %arg3[%swap3A, %swap3A_27, %swap3A_28] : memref<1x2048x64xf32, #tpu.memory_space<vmem>>, vector<1x512x64xf32>
    %swap3A_30 = vector.shape_cast %swap3A_29 : vector<1x512x64xf32> to vector<512x64xf32>
    %swap3A_31 = vector.shape_cast %div3A_26 : vector<512x64xf32> to vector<1x512x64xf32>
    tpu.vector_store %arg3[%swap3A, %swap3A_27, %swap3A_28], %swap3A_31 {strides = array<i32>} : memref<1x2048x64xf32, #tpu.memory_space<vmem>>, vector<1x512x64xf32>,
    %get3A_32 = arith.constant 0 : index
    %get3A_33 = arith.constant 512 : index
    %get3A_34 = arith.constant 0 : index
    %get3A_35 = vector.load %arg1[%get3A_32, %get3A_33, %get3A_34] : memref<1x2048x64xf32, #tpu.memory_space<vmem>>, vector<1x512x64xf32>
    %get3A_36 = vector.shape_cast %get3A_35 : vector<1x512x64xf32> to vector<512x64xf32>
    %dot_general3A_37 = arith.constant dense<0.000000e+00> : vector<512x2048xf32>
    %dot_general3A_38 = tpu.matmul %get3A_36, %get3A_3, %dot_general3A_37 {dimension_numbers = #tpu.dot_dimension_numbers<[1], [1], [0], [0], [0, 0, 1, 0], [], []>, transpose_lhs_hint = false} : vector<512x64xf32>, vector<2048x64xf32>, vector<512x2048xf32> -> vector<512x2048xf32>
    %reduce_max3A_39 = arith.constant dense<0xFF800000> : vector<512xf32>
    %reduce_max3A_40 = vector.multi_reduction <maximumf>, %dot_general3A_38, %reduce_max3A_39 [1] : vector<512x2048xf32> to vector<512xf32>
    %broadcast_in_dim3A_41 = vector.shape_cast %reduce_max3A_40 : vector<512xf32> to vector<512x1xf32>
    %mul3A_42 = arith.constant 0.180336878 : f32
    %mul3A_43 = vector.broadcast %mul3A_42 : f32 to vector<512x2048xf32>
    %mul3A_44 = arith.mulf %dot_general3A_38, %mul3A_43 : vector<512x2048xf32>
    %mul3A_45 = arith.constant 0.180336878 : f32
    %mul3A_46 = vector.broadcast %mul3A_45 : f32 to vector<512x1xf32>
    %mul3A_47 = arith.mulf %broadcast_in_dim3A_41, %mul3A_46 : vector<512x1xf32>
    %sub3A_48 = vector.broadcast %mul3A_47 : vector<512x1xf32> to vector<512x2048xf32>
    %sub3A_49 = arith.subf %mul3A_44, %sub3A_48 : vector<512x2048xf32>
    %exp23A_50 = math.exp2 %sub3A_49 : vector<512x2048xf32>
    %reduce_sum3A_51 = arith.constant dense<0.000000e+00> : vector<512xf32>
    %reduce_sum3A_52 = vector.multi_reduction <add>, %exp23A_50, %reduce_sum3A_51 [1] : vector<512x2048xf32> to vector<512xf32>
    %broadcast_in_dim3A_53 = vector.shape_cast %reduce_sum3A_52 : vector<512xf32> to vector<512x1xf32>
    %dot_general3A_54 = arith.constant dense<0.000000e+00> : vector<512x64xf32>
    %dot_general3A_55 = tpu.matmul %exp23A_50, %get3A_8, %dot_general3A_54 {dimension_numbers = #tpu.dot_dimension_numbers<[1], [0], [0], [1], [0, 0, 1, 1], [], []>, transpose_lhs_hint = false} : vector<512x2048xf32>, vector<2048x64xf32>, vector<512x64xf32> -> vector<512x64xf32>
    %div3A_56 = vector.broadcast %broadcast_in_dim3A_53 : vector<512x1xf32> to vector<512x64xf32>
    %div3A_57 = arith.divf %dot_general3A_55, %div3A_56 : vector<512x64xf32>
    %swap3A_58 = arith.constant 0 : index
    %swap3A_59 = arith.constant 512 : index
    %swap3A_60 = arith.constant 0 : index
    %swap3A_61 = vector.load %arg3[%swap3A_58, %swap3A_59, %swap3A_60] : memref<1x2048x64xf32, #tpu.memory_space<vmem>>, vector<1x512x64xf32>
    %swap3A_62 = vector.shape_cast %swap3A_61 : vector<1x512x64xf32> to vector<512x64xf32>
    %swap3A_63 = vector.shape_cast %div3A_57 : vector<512x64xf32> to vector<1x512x64xf32>
    tpu.vector_store %arg3[%swap3A_58, %swap3A_59, %swap3A_60], %swap3A_63 {strides = array<i32>} : memref<1x2048x64xf32, #tpu.memory_space<vmem>>, vector<1x512x64xf32>,
    %get3A_64 = arith.constant 0 : index
    %get3A_65 = arith.constant 1024 : index
    %get3A_66 = arith.constant 0 : index
    %get3A_67 = vector.load %arg1[%get3A_64, %get3A_65, %get3A_66] : memref<1x2048x64xf32, #tpu.memory_space<vmem>>, vector<1x512x64xf32>
    %get3A_68 = vector.shape_cast %get3A_67 : vector<1x512x64xf32> to vector<512x64xf32>
    %dot_general3A_69 = arith.constant dense<0.000000e+00> : vector<512x2048xf32>
    %dot_general3A_70 = tpu.matmul %get3A_68, %get3A_3, %dot_general3A_69 {dimension_numbers = #tpu.dot_dimension_numbers<[1], [1], [0], [0], [0, 0, 1, 0], [], []>, transpose_lhs_hint = false} : vector<512x64xf32>, vector<2048x64xf32>, vector<512x2048xf32> -> vector<512x2048xf32>
    %reduce_max3A_71 = arith.constant dense<0xFF800000> : vector<512xf32>
    %reduce_max3A_72 = vector.multi_reduction <maximumf>, %dot_general3A_70, %reduce_max3A_71 [1] : vector<512x2048xf32> to vector<512xf32>
    %broadcast_in_dim3A_73 = vector.shape_cast %reduce_max3A_72 : vector<512xf32> to vector<512x1xf32>
    %mul3A_74 = arith.constant 0.180336878 : f32
    %mul3A_75 = vector.broadcast %mul3A_74 : f32 to vector<512x2048xf32>
    %mul3A_76 = arith.mulf %dot_general3A_70, %mul3A_75 : vector<512x2048xf32>
    %mul3A_77 = arith.constant 0.180336878 : f32
    %mul3A_78 = vector.broadcast %mul3A_77 : f32 to vector<512x1xf32>
    %mul3A_79 = arith.mulf %broadcast_in_dim3A_73, %mul3A_78 : vector<512x1xf32>
    %sub3A_80 = vector.broadcast %mul3A_79 : vector<512x1xf32> to vector<512x2048xf32>
    %sub3A_81 = arith.subf %mul3A_76, %sub3A_80 : vector<512x2048xf32>
    %exp23A_82 = math.exp2 %sub3A_81 : vector<512x2048xf32>
    %reduce_sum3A_83 = arith.constant dense<0.000000e+00> : vector<512xf32>
    %reduce_sum3A_84 = vector.multi_reduction <add>, %exp23A_82, %reduce_sum3A_83 [1] : vector<512x2048xf32> to vector<512xf32>
    %broadcast_in_dim3A_85 = vector.shape_cast %reduce_sum3A_84 : vector<512xf32> to vector<512x1xf32>
    %dot_general3A_86 = arith.constant dense<0.000000e+00> : vector<512x64xf32>
    %dot_general3A_87 = tpu.matmul %exp23A_82, %get3A_8, %dot_general3A_86 {dimension_numbers = #tpu.dot_dimension_numbers<[1], [0], [0], [1], [0, 0, 1, 1], [], []>, transpose_lhs_hint = false} : vector<512x2048xf32>, vector<2048x64xf32>, vector<512x64xf32> -> vector<512x64xf32>
    %div3A_88 = vector.broadcast %broadcast_in_dim3A_85 : vector<512x1xf32> to vector<512x64xf32>
    %div3A_89 = arith.divf %dot_general3A_87, %div3A_88 : vector<512x64xf32>
    %swap3A_90 = arith.constant 0 : index
    %swap3A_91 = arith.constant 1024 : index
    %swap3A_92 = arith.constant 0 : index
    %swap3A_93 = vector.load %arg3[%swap3A_90, %swap3A_91, %swap3A_92] : memref<1x2048x64xf32, #tpu.memory_space<vmem>>, vector<1x512x64xf32>
    %swap3A_94 = vector.shape_cast %swap3A_93 : vector<1x512x64xf32> to vector<512x64xf32>
    %swap3A_95 = vector.shape_cast %div3A_89 : vector<512x64xf32> to vector<1x512x64xf32>
    tpu.vector_store %arg3[%swap3A_90, %swap3A_91, %swap3A_92], %swap3A_95 {strides = array<i32>} : memref<1x2048x64xf32, #tpu.memory_space<vmem>>, vector<1x512x64xf32>,
    %get3A_96 = arith.constant 0 : index
    %get3A_97 = arith.constant 1536 : index
    %get3A_98 = arith.constant 0 : index
    %get3A_99 = vector.load %arg1[%get3A_96, %get3A_97, %get3A_98] : memref<1x2048x64xf32, #tpu.memory_space<vmem>>, vector<1x512x64xf32>
    %get3A_100 = vector.shape_cast %get3A_99 : vector<1x512x64xf32> to vector<512x64xf32>
    %dot_general3A_101 = arith.constant dense<0.000000e+00> : vector<512x2048xf32>
    %dot_general3A_102 = tpu.matmul %get3A_100, %get3A_3, %dot_general3A_101 {dimension_numbers = #tpu.dot_dimension_numbers<[1], [1], [0], [0], [0, 0, 1, 0], [], []>, transpose_lhs_hint = false} : vector<512x64xf32>, vector<2048x64xf32>, vector<512x2048xf32> -> vector<512x2048xf32>
    %reduce_max3A_103 = arith.constant dense<0xFF800000> : vector<512xf32>
    %reduce_max3A_104 = vector.multi_reduction <maximumf>, %dot_general3A_102, %reduce_max3A_103 [1] : vector<512x2048xf32> to vector<512xf32>
    %broadcast_in_dim3A_105 = vector.shape_cast %reduce_max3A_104 : vector<512xf32> to vector<512x1xf32>
    %mul3A_106 = arith.constant 0.180336878 : f32
    %mul3A_107 = vector.broadcast %mul3A_106 : f32 to vector<512x2048xf32>
    %mul3A_108 = arith.mulf %dot_general3A_102, %mul3A_107 : vector<512x2048xf32>
    %mul3A_109 = arith.constant 0.180336878 : f32
    %mul3A_110 = vector.broadcast %mul3A_109 : f32 to vector<512x1xf32>
    %mul3A_111 = arith.mulf %broadcast_in_dim3A_105, %mul3A_110 : vector<512x1xf32>
    %sub3A_112 = vector.broadcast %mul3A_111 : vector<512x1xf32> to vector<512x2048xf32>
    %sub3A_113 = arith.subf %mul3A_108, %sub3A_112 : vector<512x2048xf32>
    %exp23A_114 = math.exp2 %sub3A_113 : vector<512x2048xf32>
    %reduce_sum3A_115 = arith.constant dense<0.000000e+00> : vector<512xf32>
    %reduce_sum3A_116 = vector.multi_reduction <add>, %exp23A_114, %reduce_sum3A_115 [1] : vector<512x2048xf32> to vector<512xf32>
    %broadcast_in_dim3A_117 = vector.shape_cast %reduce_sum3A_116 : vector<512xf32> to vector<512x1xf32>
    %dot_general3A_118 = arith.constant dense<0.000000e+00> : vector<512x64xf32>
    %dot_general3A_119 = tpu.matmul %exp23A_114, %get3A_8, %dot_general3A_118 {dimension_numbers = #tpu.dot_dimension_numbers<[1], [0], [0], [1], [0, 0, 1, 1], [], []>, transpose_lhs_hint = false} : vector<512x2048xf32>, vector<2048x64xf32>, vector<512x64xf32> -> vector<512x64xf32>
    %div3A_120 = vector.broadcast %broadcast_in_dim3A_117 : vector<512x1xf32> to vector<512x64xf32>
    %div3A_121 = arith.divf %dot_general3A_119, %div3A_120 : vector<512x64xf32>
    %swap3A_122 = arith.constant 0 : index
    %swap3A_123 = arith.constant 1536 : index
    %swap3A_124 = arith.constant 0 : index
    %swap3A_125 = vector.load %arg3[%swap3A_122, %swap3A_123, %swap3A_124] : memref<1x2048x64xf32, #tpu.memory_space<vmem>>, vector<1x512x64xf32>
    %swap3A_126 = vector.shape_cast %swap3A_125 : vector<1x512x64xf32> to vector<512x64xf32>
    %swap3A_127 = vector.shape_cast %div3A_121 : vector<512x64xf32> to vector<1x512x64xf32>
    tpu.vector_store %arg3[%swap3A_122, %swap3A_123, %swap3A_124], %swap3A_127 {strides = array<i32>} : memref<1x2048x64xf32, #tpu.memory_space<vmem>>, vector<1x512x64xf32>,
    return
  }
  func.func @transform_0(%arg0: i32) -> (i32, i32, i32) {
    %c0_i32 = arith.constant 0 : i32
    %c0_i32_0 = arith.constant 0 : i32
    %c0_i32_1 = arith.constant 0 : i32
    return %arg0, %c0_i32, %c0_i32_0 : i32, i32, i32
  }
  func.func @transform_1(%arg0: i32) -> (i32, i32, i32) {
    %c0_i32 = arith.constant 0 : i32
    %c0_i32_0 = arith.constant 0 : i32
    %c0_i32_1 = arith.constant 0 : i32
    return %arg0, %c0_i32, %c0_i32_0 : i32, i32, i32
  }
  func.func @transform_2(%arg0: i32) -> (i32, i32, i32) {
    %c0_i32 = arith.constant 0 : i32
    %c0_i32_0 = arith.constant 0 : i32
    %c0_i32_1 = arith.constant 0 : i32
    return %arg0, %c0_i32, %c0_i32_0 : i32, i32, i32
  }
}

module attributes {stable_mosaic.version = 14 : i64} {
  func.func @_combine_kernel(%arg0: i32, %arg1: memref<16x256x64xf32, #tpu.memory_space<vmem>>, %arg2: memref<16x256x64xf32, #tpu.memory_space<vmem>>, %arg3: memref<256x1024xf32, #tpu.memory_space<vmem>>, %arg4: memref<16x64x1024xf32, #tpu.memory_space<vmem>>, %arg5: memref<1024xf32, #tpu.memory_space<vmem>>, %arg6: memref<256x1024xf32, #tpu.memory_space<vmem>>) attributes {dimension_semantics = [#tpu.dimension_semantics<arbitrary>], iteration_bounds = array<i64: 8>, scalar_prefetch = 0 : i64, scratch_operands = 0 : i64, tpu.core_type = #tpu.core_type<tc>, window_params = [{transform_indices = @transform_0, window_bounds = array<i64: 16, 256, 64>}, {transform_indices = @transform_1, window_bounds = array<i64: 16, 256, 64>}, {transform_indices = @transform_2, window_bounds = array<i64: 256, 1024>}, {pipeline_mode = #tpu.pipeline_mode<synchronous>, transform_indices = @transform_3, window_bounds = array<i64: 16, 64, 1024>}, {pipeline_mode = #tpu.pipeline_mode<synchronous>, transform_indices = @transform_4, window_bounds = array<i64: 1024>}, {transform_indices = @transform_5, window_bounds = array<i64: 256, 1024>}]} {
    %get3A = arith.constant 0 : index
    %get3A_0 = arith.constant 0 : index
    %get3A_1 = arith.constant 0 : index
    %get3A_2 = vector.load %arg1[%get3A, %get3A_0, %get3A_1] : memref<16x256x64xf32, #tpu.memory_space<vmem>>, vector<1x256x64xf32>
    %get3A_3 = vector.shape_cast %get3A_2 : vector<1x256x64xf32> to vector<256x64xf32>
    %get3A_4 = arith.constant 0 : index
    %get3A_5 = arith.constant 0 : index
    %get3A_6 = arith.constant 0 : index
    %get3A_7 = vector.load %arg4[%get3A_4, %get3A_5, %get3A_6] : memref<16x64x1024xf32, #tpu.memory_space<vmem>>, vector<1x64x1024xf32>
    %get3A_8 = vector.shape_cast %get3A_7 : vector<1x64x1024xf32> to vector<64x1024xf32>
    %dot_general3A = arith.constant dense<0.000000e+00> : vector<256x1024xf32>
    %dot_general3A_9 = tpu.matmul %get3A_3, %get3A_8, %dot_general3A {dimension_numbers = #tpu.dot_dimension_numbers<[1], [0], [0], [1], [0, 0, 1, 1], [], []>, transpose_lhs_hint = false} : vector<256x64xf32>, vector<64x1024xf32>, vector<256x1024xf32> -> vector<256x1024xf32>
    %get3A_10 = arith.constant 0 : index
    %get3A_11 = arith.constant 0 : index
    %get3A_12 = arith.constant 0 : index
    %get3A_13 = vector.load %arg2[%get3A_10, %get3A_11, %get3A_12] : memref<16x256x64xf32, #tpu.memory_space<vmem>>, vector<1x256x64xf32>
    %get3A_14 = vector.shape_cast %get3A_13 : vector<1x256x64xf32> to vector<256x64xf32>
    %get3A_15 = arith.constant 0 : index
    %get3A_16 = arith.constant 0 : index
    %get3A_17 = arith.constant 0 : index
    %get3A_18 = vector.load %arg4[%get3A_15, %get3A_16, %get3A_17] : memref<16x64x1024xf32, #tpu.memory_space<vmem>>, vector<1x64x1024xf32>
    %get3A_19 = vector.shape_cast %get3A_18 : vector<1x64x1024xf32> to vector<64x1024xf32>
    %dot_general3A_20 = arith.constant dense<0.000000e+00> : vector<256x1024xf32>
    %dot_general3A_21 = tpu.matmul %get3A_14, %get3A_19, %dot_general3A_20 {dimension_numbers = #tpu.dot_dimension_numbers<[1], [0], [0], [1], [0, 0, 1, 1], [], []>, transpose_lhs_hint = false} : vector<256x64xf32>, vector<64x1024xf32>, vector<256x1024xf32> -> vector<256x1024xf32>
    %get3A_22 = arith.constant 1 : index
    %get3A_23 = arith.constant 0 : index
    %get3A_24 = arith.constant 0 : index
    %get3A_25 = vector.load %arg1[%get3A_22, %get3A_23, %get3A_24] : memref<16x256x64xf32, #tpu.memory_space<vmem>>, vector<1x256x64xf32>
    %get3A_26 = vector.shape_cast %get3A_25 : vector<1x256x64xf32> to vector<256x64xf32>
    %get3A_27 = arith.constant 1 : index
    %get3A_28 = arith.constant 0 : index
    %get3A_29 = arith.constant 0 : index
    %get3A_30 = vector.load %arg4[%get3A_27, %get3A_28, %get3A_29] : memref<16x64x1024xf32, #tpu.memory_space<vmem>>, vector<1x64x1024xf32>
    %get3A_31 = vector.shape_cast %get3A_30 : vector<1x64x1024xf32> to vector<64x1024xf32>
    %dot_general3A_32 = arith.constant dense<0.000000e+00> : vector<256x1024xf32>
    %dot_general3A_33 = tpu.matmul %get3A_26, %get3A_31, %dot_general3A_32 {dimension_numbers = #tpu.dot_dimension_numbers<[1], [0], [0], [1], [0, 0, 1, 1], [], []>, transpose_lhs_hint = false} : vector<256x64xf32>, vector<64x1024xf32>, vector<256x1024xf32> -> vector<256x1024xf32>
    %add3A = arith.addf %dot_general3A_9, %dot_general3A_33 : vector<256x1024xf32>
    %get3A_34 = arith.constant 1 : index
    %get3A_35 = arith.constant 0 : index
    %get3A_36 = arith.constant 0 : index
    %get3A_37 = vector.load %arg2[%get3A_34, %get3A_35, %get3A_36] : memref<16x256x64xf32, #tpu.memory_space<vmem>>, vector<1x256x64xf32>
    %get3A_38 = vector.shape_cast %get3A_37 : vector<1x256x64xf32> to vector<256x64xf32>
    %get3A_39 = arith.constant 1 : index
    %get3A_40 = arith.constant 0 : index
    %get3A_41 = arith.constant 0 : index
    %get3A_42 = vector.load %arg4[%get3A_39, %get3A_40, %get3A_41] : memref<16x64x1024xf32, #tpu.memory_space<vmem>>, vector<1x64x1024xf32>
    %get3A_43 = vector.shape_cast %get3A_42 : vector<1x64x1024xf32> to vector<64x1024xf32>
    %dot_general3A_44 = arith.constant dense<0.000000e+00> : vector<256x1024xf32>
    %dot_general3A_45 = tpu.matmul %get3A_38, %get3A_43, %dot_general3A_44 {dimension_numbers = #tpu.dot_dimension_numbers<[1], [0], [0], [1], [0, 0, 1, 1], [], []>, transpose_lhs_hint = false} : vector<256x64xf32>, vector<64x1024xf32>, vector<256x1024xf32> -> vector<256x1024xf32>
    %add3A_46 = arith.addf %dot_general3A_21, %dot_general3A_45 : vector<256x1024xf32>
    %get3A_47 = arith.constant 2 : index
    %get3A_48 = arith.constant 0 : index
    %get3A_49 = arith.constant 0 : index
    %get3A_50 = vector.load %arg1[%get3A_47, %get3A_48, %get3A_49] : memref<16x256x64xf32, #tpu.memory_space<vmem>>, vector<1x256x64xf32>
    %get3A_51 = vector.shape_cast %get3A_50 : vector<1x256x64xf32> to vector<256x64xf32>
    %get3A_52 = arith.constant 2 : index
    %get3A_53 = arith.constant 0 : index
    %get3A_54 = arith.constant 0 : index
    %get3A_55 = vector.load %arg4[%get3A_52, %get3A_53, %get3A_54] : memref<16x64x1024xf32, #tpu.memory_space<vmem>>, vector<1x64x1024xf32>
    %get3A_56 = vector.shape_cast %get3A_55 : vector<1x64x1024xf32> to vector<64x1024xf32>
    %dot_general3A_57 = arith.constant dense<0.000000e+00> : vector<256x1024xf32>
    %dot_general3A_58 = tpu.matmul %get3A_51, %get3A_56, %dot_general3A_57 {dimension_numbers = #tpu.dot_dimension_numbers<[1], [0], [0], [1], [0, 0, 1, 1], [], []>, transpose_lhs_hint = false} : vector<256x64xf32>, vector<64x1024xf32>, vector<256x1024xf32> -> vector<256x1024xf32>
    %add3A_59 = arith.addf %add3A, %dot_general3A_58 : vector<256x1024xf32>
    %get3A_60 = arith.constant 2 : index
    %get3A_61 = arith.constant 0 : index
    %get3A_62 = arith.constant 0 : index
    %get3A_63 = vector.load %arg2[%get3A_60, %get3A_61, %get3A_62] : memref<16x256x64xf32, #tpu.memory_space<vmem>>, vector<1x256x64xf32>
    %get3A_64 = vector.shape_cast %get3A_63 : vector<1x256x64xf32> to vector<256x64xf32>
    %get3A_65 = arith.constant 2 : index
    %get3A_66 = arith.constant 0 : index
    %get3A_67 = arith.constant 0 : index
    %get3A_68 = vector.load %arg4[%get3A_65, %get3A_66, %get3A_67] : memref<16x64x1024xf32, #tpu.memory_space<vmem>>, vector<1x64x1024xf32>
    %get3A_69 = vector.shape_cast %get3A_68 : vector<1x64x1024xf32> to vector<64x1024xf32>
    %dot_general3A_70 = arith.constant dense<0.000000e+00> : vector<256x1024xf32>
    %dot_general3A_71 = tpu.matmul %get3A_64, %get3A_69, %dot_general3A_70 {dimension_numbers = #tpu.dot_dimension_numbers<[1], [0], [0], [1], [0, 0, 1, 1], [], []>, transpose_lhs_hint = false} : vector<256x64xf32>, vector<64x1024xf32>, vector<256x1024xf32> -> vector<256x1024xf32>
    %add3A_72 = arith.addf %add3A_46, %dot_general3A_71 : vector<256x1024xf32>
    %get3A_73 = arith.constant 3 : index
    %get3A_74 = arith.constant 0 : index
    %get3A_75 = arith.constant 0 : index
    %get3A_76 = vector.load %arg1[%get3A_73, %get3A_74, %get3A_75] : memref<16x256x64xf32, #tpu.memory_space<vmem>>, vector<1x256x64xf32>
    %get3A_77 = vector.shape_cast %get3A_76 : vector<1x256x64xf32> to vector<256x64xf32>
    %get3A_78 = arith.constant 3 : index
    %get3A_79 = arith.constant 0 : index
    %get3A_80 = arith.constant 0 : index
    %get3A_81 = vector.load %arg4[%get3A_78, %get3A_79, %get3A_80] : memref<16x64x1024xf32, #tpu.memory_space<vmem>>, vector<1x64x1024xf32>
    %get3A_82 = vector.shape_cast %get3A_81 : vector<1x64x1024xf32> to vector<64x1024xf32>
    %dot_general3A_83 = arith.constant dense<0.000000e+00> : vector<256x1024xf32>
    %dot_general3A_84 = tpu.matmul %get3A_77, %get3A_82, %dot_general3A_83 {dimension_numbers = #tpu.dot_dimension_numbers<[1], [0], [0], [1], [0, 0, 1, 1], [], []>, transpose_lhs_hint = false} : vector<256x64xf32>, vector<64x1024xf32>, vector<256x1024xf32> -> vector<256x1024xf32>
    %add3A_85 = arith.addf %add3A_59, %dot_general3A_84 : vector<256x1024xf32>
    %get3A_86 = arith.constant 3 : index
    %get3A_87 = arith.constant 0 : index
    %get3A_88 = arith.constant 0 : index
    %get3A_89 = vector.load %arg2[%get3A_86, %get3A_87, %get3A_88] : memref<16x256x64xf32, #tpu.memory_space<vmem>>, vector<1x256x64xf32>
    %get3A_90 = vector.shape_cast %get3A_89 : vector<1x256x64xf32> to vector<256x64xf32>
    %get3A_91 = arith.constant 3 : index
    %get3A_92 = arith.constant 0 : index
    %get3A_93 = arith.constant 0 : index
    %get3A_94 = vector.load %arg4[%get3A_91, %get3A_92, %get3A_93] : memref<16x64x1024xf32, #tpu.memory_space<vmem>>, vector<1x64x1024xf32>
    %get3A_95 = vector.shape_cast %get3A_94 : vector<1x64x1024xf32> to vector<64x1024xf32>
    %dot_general3A_96 = arith.constant dense<0.000000e+00> : vector<256x1024xf32>
    %dot_general3A_97 = tpu.matmul %get3A_90, %get3A_95, %dot_general3A_96 {dimension_numbers = #tpu.dot_dimension_numbers<[1], [0], [0], [1], [0, 0, 1, 1], [], []>, transpose_lhs_hint = false} : vector<256x64xf32>, vector<64x1024xf32>, vector<256x1024xf32> -> vector<256x1024xf32>
    %add3A_98 = arith.addf %add3A_72, %dot_general3A_97 : vector<256x1024xf32>
    %get3A_99 = arith.constant 4 : index
    %get3A_100 = arith.constant 0 : index
    %get3A_101 = arith.constant 0 : index
    %get3A_102 = vector.load %arg1[%get3A_99, %get3A_100, %get3A_101] : memref<16x256x64xf32, #tpu.memory_space<vmem>>, vector<1x256x64xf32>
    %get3A_103 = vector.shape_cast %get3A_102 : vector<1x256x64xf32> to vector<256x64xf32>
    %get3A_104 = arith.constant 4 : index
    %get3A_105 = arith.constant 0 : index
    %get3A_106 = arith.constant 0 : index
    %get3A_107 = vector.load %arg4[%get3A_104, %get3A_105, %get3A_106] : memref<16x64x1024xf32, #tpu.memory_space<vmem>>, vector<1x64x1024xf32>
    %get3A_108 = vector.shape_cast %get3A_107 : vector<1x64x1024xf32> to vector<64x1024xf32>
    %dot_general3A_109 = arith.constant dense<0.000000e+00> : vector<256x1024xf32>
    %dot_general3A_110 = tpu.matmul %get3A_103, %get3A_108, %dot_general3A_109 {dimension_numbers = #tpu.dot_dimension_numbers<[1], [0], [0], [1], [0, 0, 1, 1], [], []>, transpose_lhs_hint = false} : vector<256x64xf32>, vector<64x1024xf32>, vector<256x1024xf32> -> vector<256x1024xf32>
    %add3A_111 = arith.addf %add3A_85, %dot_general3A_110 : vector<256x1024xf32>
    %get3A_112 = arith.constant 4 : index
    %get3A_113 = arith.constant 0 : index
    %get3A_114 = arith.constant 0 : index
    %get3A_115 = vector.load %arg2[%get3A_112, %get3A_113, %get3A_114] : memref<16x256x64xf32, #tpu.memory_space<vmem>>, vector<1x256x64xf32>
    %get3A_116 = vector.shape_cast %get3A_115 : vector<1x256x64xf32> to vector<256x64xf32>
    %get3A_117 = arith.constant 4 : index
    %get3A_118 = arith.constant 0 : index
    %get3A_119 = arith.constant 0 : index
    %get3A_120 = vector.load %arg4[%get3A_117, %get3A_118, %get3A_119] : memref<16x64x1024xf32, #tpu.memory_space<vmem>>, vector<1x64x1024xf32>
    %get3A_121 = vector.shape_cast %get3A_120 : vector<1x64x1024xf32> to vector<64x1024xf32>
    %dot_general3A_122 = arith.constant dense<0.000000e+00> : vector<256x1024xf32>
    %dot_general3A_123 = tpu.matmul %get3A_116, %get3A_121, %dot_general3A_122 {dimension_numbers = #tpu.dot_dimension_numbers<[1], [0], [0], [1], [0, 0, 1, 1], [], []>, transpose_lhs_hint = false} : vector<256x64xf32>, vector<64x1024xf32>, vector<256x1024xf32> -> vector<256x1024xf32>
    %add3A_124 = arith.addf %add3A_98, %dot_general3A_123 : vector<256x1024xf32>
    %get3A_125 = arith.constant 5 : index
    %get3A_126 = arith.constant 0 : index
    %get3A_127 = arith.constant 0 : index
    %get3A_128 = vector.load %arg1[%get3A_125, %get3A_126, %get3A_127] : memref<16x256x64xf32, #tpu.memory_space<vmem>>, vector<1x256x64xf32>
    %get3A_129 = vector.shape_cast %get3A_128 : vector<1x256x64xf32> to vector<256x64xf32>
    %get3A_130 = arith.constant 5 : index
    %get3A_131 = arith.constant 0 : index
    %get3A_132 = arith.constant 0 : index
    %get3A_133 = vector.load %arg4[%get3A_130, %get3A_131, %get3A_132] : memref<16x64x1024xf32, #tpu.memory_space<vmem>>, vector<1x64x1024xf32>
    %get3A_134 = vector.shape_cast %get3A_133 : vector<1x64x1024xf32> to vector<64x1024xf32>
    %dot_general3A_135 = arith.constant dense<0.000000e+00> : vector<256x1024xf32>
    %dot_general3A_136 = tpu.matmul %get3A_129, %get3A_134, %dot_general3A_135 {dimension_numbers = #tpu.dot_dimension_numbers<[1], [0], [0], [1], [0, 0, 1, 1], [], []>, transpose_lhs_hint = false} : vector<256x64xf32>, vector<64x1024xf32>, vector<256x1024xf32> -> vector<256x1024xf32>
    %add3A_137 = arith.addf %add3A_111, %dot_general3A_136 : vector<256x1024xf32>
    %get3A_138 = arith.constant 5 : index
    %get3A_139 = arith.constant 0 : index
    %get3A_140 = arith.constant 0 : index
    %get3A_141 = vector.load %arg2[%get3A_138, %get3A_139, %get3A_140] : memref<16x256x64xf32, #tpu.memory_space<vmem>>, vector<1x256x64xf32>
    %get3A_142 = vector.shape_cast %get3A_141 : vector<1x256x64xf32> to vector<256x64xf32>
    %get3A_143 = arith.constant 5 : index
    %get3A_144 = arith.constant 0 : index
    %get3A_145 = arith.constant 0 : index
    %get3A_146 = vector.load %arg4[%get3A_143, %get3A_144, %get3A_145] : memref<16x64x1024xf32, #tpu.memory_space<vmem>>, vector<1x64x1024xf32>
    %get3A_147 = vector.shape_cast %get3A_146 : vector<1x64x1024xf32> to vector<64x1024xf32>
    %dot_general3A_148 = arith.constant dense<0.000000e+00> : vector<256x1024xf32>
    %dot_general3A_149 = tpu.matmul %get3A_142, %get3A_147, %dot_general3A_148 {dimension_numbers = #tpu.dot_dimension_numbers<[1], [0], [0], [1], [0, 0, 1, 1], [], []>, transpose_lhs_hint = false} : vector<256x64xf32>, vector<64x1024xf32>, vector<256x1024xf32> -> vector<256x1024xf32>
    %add3A_150 = arith.addf %add3A_124, %dot_general3A_149 : vector<256x1024xf32>
    %get3A_151 = arith.constant 6 : index
    %get3A_152 = arith.constant 0 : index
    %get3A_153 = arith.constant 0 : index
    %get3A_154 = vector.load %arg1[%get3A_151, %get3A_152, %get3A_153] : memref<16x256x64xf32, #tpu.memory_space<vmem>>, vector<1x256x64xf32>
    %get3A_155 = vector.shape_cast %get3A_154 : vector<1x256x64xf32> to vector<256x64xf32>
    %get3A_156 = arith.constant 6 : index
    %get3A_157 = arith.constant 0 : index
    %get3A_158 = arith.constant 0 : index
    %get3A_159 = vector.load %arg4[%get3A_156, %get3A_157, %get3A_158] : memref<16x64x1024xf32, #tpu.memory_space<vmem>>, vector<1x64x1024xf32>
    %get3A_160 = vector.shape_cast %get3A_159 : vector<1x64x1024xf32> to vector<64x1024xf32>
    %dot_general3A_161 = arith.constant dense<0.000000e+00> : vector<256x1024xf32>
    %dot_general3A_162 = tpu.matmul %get3A_155, %get3A_160, %dot_general3A_161 {dimension_numbers = #tpu.dot_dimension_numbers<[1], [0], [0], [1], [0, 0, 1, 1], [], []>, transpose_lhs_hint = false} : vector<256x64xf32>, vector<64x1024xf32>, vector<256x1024xf32> -> vector<256x1024xf32>
    %add3A_163 = arith.addf %add3A_137, %dot_general3A_162 : vector<256x1024xf32>
    %get3A_164 = arith.constant 6 : index
    %get3A_165 = arith.constant 0 : index
    %get3A_166 = arith.constant 0 : index
    %get3A_167 = vector.load %arg2[%get3A_164, %get3A_165, %get3A_166] : memref<16x256x64xf32, #tpu.memory_space<vmem>>, vector<1x256x64xf32>
    %get3A_168 = vector.shape_cast %get3A_167 : vector<1x256x64xf32> to vector<256x64xf32>
    %get3A_169 = arith.constant 6 : index
    %get3A_170 = arith.constant 0 : index
    %get3A_171 = arith.constant 0 : index
    %get3A_172 = vector.load %arg4[%get3A_169, %get3A_170, %get3A_171] : memref<16x64x1024xf32, #tpu.memory_space<vmem>>, vector<1x64x1024xf32>
    %get3A_173 = vector.shape_cast %get3A_172 : vector<1x64x1024xf32> to vector<64x1024xf32>
    %dot_general3A_174 = arith.constant dense<0.000000e+00> : vector<256x1024xf32>
    %dot_general3A_175 = tpu.matmul %get3A_168, %get3A_173, %dot_general3A_174 {dimension_numbers = #tpu.dot_dimension_numbers<[1], [0], [0], [1], [0, 0, 1, 1], [], []>, transpose_lhs_hint = false} : vector<256x64xf32>, vector<64x1024xf32>, vector<256x1024xf32> -> vector<256x1024xf32>
    %add3A_176 = arith.addf %add3A_150, %dot_general3A_175 : vector<256x1024xf32>
    %get3A_177 = arith.constant 7 : index
    %get3A_178 = arith.constant 0 : index
    %get3A_179 = arith.constant 0 : index
    %get3A_180 = vector.load %arg1[%get3A_177, %get3A_178, %get3A_179] : memref<16x256x64xf32, #tpu.memory_space<vmem>>, vector<1x256x64xf32>
    %get3A_181 = vector.shape_cast %get3A_180 : vector<1x256x64xf32> to vector<256x64xf32>
    %get3A_182 = arith.constant 7 : index
    %get3A_183 = arith.constant 0 : index
    %get3A_184 = arith.constant 0 : index
    %get3A_185 = vector.load %arg4[%get3A_182, %get3A_183, %get3A_184] : memref<16x64x1024xf32, #tpu.memory_space<vmem>>, vector<1x64x1024xf32>
    %get3A_186 = vector.shape_cast %get3A_185 : vector<1x64x1024xf32> to vector<64x1024xf32>
    %dot_general3A_187 = arith.constant dense<0.000000e+00> : vector<256x1024xf32>
    %dot_general3A_188 = tpu.matmul %get3A_181, %get3A_186, %dot_general3A_187 {dimension_numbers = #tpu.dot_dimension_numbers<[1], [0], [0], [1], [0, 0, 1, 1], [], []>, transpose_lhs_hint = false} : vector<256x64xf32>, vector<64x1024xf32>, vector<256x1024xf32> -> vector<256x1024xf32>
    %add3A_189 = arith.addf %add3A_163, %dot_general3A_188 : vector<256x1024xf32>
    %get3A_190 = arith.constant 7 : index
    %get3A_191 = arith.constant 0 : index
    %get3A_192 = arith.constant 0 : index
    %get3A_193 = vector.load %arg2[%get3A_190, %get3A_191, %get3A_192] : memref<16x256x64xf32, #tpu.memory_space<vmem>>, vector<1x256x64xf32>
    %get3A_194 = vector.shape_cast %get3A_193 : vector<1x256x64xf32> to vector<256x64xf32>
    %get3A_195 = arith.constant 7 : index
    %get3A_196 = arith.constant 0 : index
    %get3A_197 = arith.constant 0 : index
    %get3A_198 = vector.load %arg4[%get3A_195, %get3A_196, %get3A_197] : memref<16x64x1024xf32, #tpu.memory_space<vmem>>, vector<1x64x1024xf32>
    %get3A_199 = vector.shape_cast %get3A_198 : vector<1x64x1024xf32> to vector<64x1024xf32>
    %dot_general3A_200 = arith.constant dense<0.000000e+00> : vector<256x1024xf32>
    %dot_general3A_201 = tpu.matmul %get3A_194, %get3A_199, %dot_general3A_200 {dimension_numbers = #tpu.dot_dimension_numbers<[1], [0], [0], [1], [0, 0, 1, 1], [], []>, transpose_lhs_hint = false} : vector<256x64xf32>, vector<64x1024xf32>, vector<256x1024xf32> -> vector<256x1024xf32>
    %add3A_202 = arith.addf %add3A_176, %dot_general3A_201 : vector<256x1024xf32>
    %get3A_203 = arith.constant 8 : index
    %get3A_204 = arith.constant 0 : index
    %get3A_205 = arith.constant 0 : index
    %get3A_206 = vector.load %arg1[%get3A_203, %get3A_204, %get3A_205] : memref<16x256x64xf32, #tpu.memory_space<vmem>>, vector<1x256x64xf32>
    %get3A_207 = vector.shape_cast %get3A_206 : vector<1x256x64xf32> to vector<256x64xf32>
    %get3A_208 = arith.constant 8 : index
    %get3A_209 = arith.constant 0 : index
    %get3A_210 = arith.constant 0 : index
    %get3A_211 = vector.load %arg4[%get3A_208, %get3A_209, %get3A_210] : memref<16x64x1024xf32, #tpu.memory_space<vmem>>, vector<1x64x1024xf32>
    %get3A_212 = vector.shape_cast %get3A_211 : vector<1x64x1024xf32> to vector<64x1024xf32>
    %dot_general3A_213 = arith.constant dense<0.000000e+00> : vector<256x1024xf32>
    %dot_general3A_214 = tpu.matmul %get3A_207, %get3A_212, %dot_general3A_213 {dimension_numbers = #tpu.dot_dimension_numbers<[1], [0], [0], [1], [0, 0, 1, 1], [], []>, transpose_lhs_hint = false} : vector<256x64xf32>, vector<64x1024xf32>, vector<256x1024xf32> -> vector<256x1024xf32>
    %add3A_215 = arith.addf %add3A_189, %dot_general3A_214 : vector<256x1024xf32>
    %get3A_216 = arith.constant 8 : index
    %get3A_217 = arith.constant 0 : index
    %get3A_218 = arith.constant 0 : index
    %get3A_219 = vector.load %arg2[%get3A_216, %get3A_217, %get3A_218] : memref<16x256x64xf32, #tpu.memory_space<vmem>>, vector<1x256x64xf32>
    %get3A_220 = vector.shape_cast %get3A_219 : vector<1x256x64xf32> to vector<256x64xf32>
    %get3A_221 = arith.constant 8 : index
    %get3A_222 = arith.constant 0 : index
    %get3A_223 = arith.constant 0 : index
    %get3A_224 = vector.load %arg4[%get3A_221, %get3A_222, %get3A_223] : memref<16x64x1024xf32, #tpu.memory_space<vmem>>, vector<1x64x1024xf32>
    %get3A_225 = vector.shape_cast %get3A_224 : vector<1x64x1024xf32> to vector<64x1024xf32>
    %dot_general3A_226 = arith.constant dense<0.000000e+00> : vector<256x1024xf32>
    %dot_general3A_227 = tpu.matmul %get3A_220, %get3A_225, %dot_general3A_226 {dimension_numbers = #tpu.dot_dimension_numbers<[1], [0], [0], [1], [0, 0, 1, 1], [], []>, transpose_lhs_hint = false} : vector<256x64xf32>, vector<64x1024xf32>, vector<256x1024xf32> -> vector<256x1024xf32>
    %add3A_228 = arith.addf %add3A_202, %dot_general3A_227 : vector<256x1024xf32>
    %get3A_229 = arith.constant 9 : index
    %get3A_230 = arith.constant 0 : index
    %get3A_231 = arith.constant 0 : index
    %get3A_232 = vector.load %arg1[%get3A_229, %get3A_230, %get3A_231] : memref<16x256x64xf32, #tpu.memory_space<vmem>>, vector<1x256x64xf32>
    %get3A_233 = vector.shape_cast %get3A_232 : vector<1x256x64xf32> to vector<256x64xf32>
    %get3A_234 = arith.constant 9 : index
    %get3A_235 = arith.constant 0 : index
    %get3A_236 = arith.constant 0 : index
    %get3A_237 = vector.load %arg4[%get3A_234, %get3A_235, %get3A_236] : memref<16x64x1024xf32, #tpu.memory_space<vmem>>, vector<1x64x1024xf32>
    %get3A_238 = vector.shape_cast %get3A_237 : vector<1x64x1024xf32> to vector<64x1024xf32>
    %dot_general3A_239 = arith.constant dense<0.000000e+00> : vector<256x1024xf32>
    %dot_general3A_240 = tpu.matmul %get3A_233, %get3A_238, %dot_general3A_239 {dimension_numbers = #tpu.dot_dimension_numbers<[1], [0], [0], [1], [0, 0, 1, 1], [], []>, transpose_lhs_hint = false} : vector<256x64xf32>, vector<64x1024xf32>, vector<256x1024xf32> -> vector<256x1024xf32>
    %add3A_241 = arith.addf %add3A_215, %dot_general3A_240 : vector<256x1024xf32>
    %get3A_242 = arith.constant 9 : index
    %get3A_243 = arith.constant 0 : index
    %get3A_244 = arith.constant 0 : index
    %get3A_245 = vector.load %arg2[%get3A_242, %get3A_243, %get3A_244] : memref<16x256x64xf32, #tpu.memory_space<vmem>>, vector<1x256x64xf32>
    %get3A_246 = vector.shape_cast %get3A_245 : vector<1x256x64xf32> to vector<256x64xf32>
    %get3A_247 = arith.constant 9 : index
    %get3A_248 = arith.constant 0 : index
    %get3A_249 = arith.constant 0 : index
    %get3A_250 = vector.load %arg4[%get3A_247, %get3A_248, %get3A_249] : memref<16x64x1024xf32, #tpu.memory_space<vmem>>, vector<1x64x1024xf32>
    %get3A_251 = vector.shape_cast %get3A_250 : vector<1x64x1024xf32> to vector<64x1024xf32>
    %dot_general3A_252 = arith.constant dense<0.000000e+00> : vector<256x1024xf32>
    %dot_general3A_253 = tpu.matmul %get3A_246, %get3A_251, %dot_general3A_252 {dimension_numbers = #tpu.dot_dimension_numbers<[1], [0], [0], [1], [0, 0, 1, 1], [], []>, transpose_lhs_hint = false} : vector<256x64xf32>, vector<64x1024xf32>, vector<256x1024xf32> -> vector<256x1024xf32>
    %add3A_254 = arith.addf %add3A_228, %dot_general3A_253 : vector<256x1024xf32>
    %get3A_255 = arith.constant 10 : index
    %get3A_256 = arith.constant 0 : index
    %get3A_257 = arith.constant 0 : index
    %get3A_258 = vector.load %arg1[%get3A_255, %get3A_256, %get3A_257] : memref<16x256x64xf32, #tpu.memory_space<vmem>>, vector<1x256x64xf32>
    %get3A_259 = vector.shape_cast %get3A_258 : vector<1x256x64xf32> to vector<256x64xf32>
    %get3A_260 = arith.constant 10 : index
    %get3A_261 = arith.constant 0 : index
    %get3A_262 = arith.constant 0 : index
    %get3A_263 = vector.load %arg4[%get3A_260, %get3A_261, %get3A_262] : memref<16x64x1024xf32, #tpu.memory_space<vmem>>, vector<1x64x1024xf32>
    %get3A_264 = vector.shape_cast %get3A_263 : vector<1x64x1024xf32> to vector<64x1024xf32>
    %dot_general3A_265 = arith.constant dense<0.000000e+00> : vector<256x1024xf32>
    %dot_general3A_266 = tpu.matmul %get3A_259, %get3A_264, %dot_general3A_265 {dimension_numbers = #tpu.dot_dimension_numbers<[1], [0], [0], [1], [0, 0, 1, 1], [], []>, transpose_lhs_hint = false} : vector<256x64xf32>, vector<64x1024xf32>, vector<256x1024xf32> -> vector<256x1024xf32>
    %add3A_267 = arith.addf %add3A_241, %dot_general3A_266 : vector<256x1024xf32>
    %get3A_268 = arith.constant 10 : index
    %get3A_269 = arith.constant 0 : index
    %get3A_270 = arith.constant 0 : index
    %get3A_271 = vector.load %arg2[%get3A_268, %get3A_269, %get3A_270] : memref<16x256x64xf32, #tpu.memory_space<vmem>>, vector<1x256x64xf32>
    %get3A_272 = vector.shape_cast %get3A_271 : vector<1x256x64xf32> to vector<256x64xf32>
    %get3A_273 = arith.constant 10 : index
    %get3A_274 = arith.constant 0 : index
    %get3A_275 = arith.constant 0 : index
    %get3A_276 = vector.load %arg4[%get3A_273, %get3A_274, %get3A_275] : memref<16x64x1024xf32, #tpu.memory_space<vmem>>, vector<1x64x1024xf32>
    %get3A_277 = vector.shape_cast %get3A_276 : vector<1x64x1024xf32> to vector<64x1024xf32>
    %dot_general3A_278 = arith.constant dense<0.000000e+00> : vector<256x1024xf32>
    %dot_general3A_279 = tpu.matmul %get3A_272, %get3A_277, %dot_general3A_278 {dimension_numbers = #tpu.dot_dimension_numbers<[1], [0], [0], [1], [0, 0, 1, 1], [], []>, transpose_lhs_hint = false} : vector<256x64xf32>, vector<64x1024xf32>, vector<256x1024xf32> -> vector<256x1024xf32>
    %add3A_280 = arith.addf %add3A_254, %dot_general3A_279 : vector<256x1024xf32>
    %get3A_281 = arith.constant 11 : index
    %get3A_282 = arith.constant 0 : index
    %get3A_283 = arith.constant 0 : index
    %get3A_284 = vector.load %arg1[%get3A_281, %get3A_282, %get3A_283] : memref<16x256x64xf32, #tpu.memory_space<vmem>>, vector<1x256x64xf32>
    %get3A_285 = vector.shape_cast %get3A_284 : vector<1x256x64xf32> to vector<256x64xf32>
    %get3A_286 = arith.constant 11 : index
    %get3A_287 = arith.constant 0 : index
    %get3A_288 = arith.constant 0 : index
    %get3A_289 = vector.load %arg4[%get3A_286, %get3A_287, %get3A_288] : memref<16x64x1024xf32, #tpu.memory_space<vmem>>, vector<1x64x1024xf32>
    %get3A_290 = vector.shape_cast %get3A_289 : vector<1x64x1024xf32> to vector<64x1024xf32>
    %dot_general3A_291 = arith.constant dense<0.000000e+00> : vector<256x1024xf32>
    %dot_general3A_292 = tpu.matmul %get3A_285, %get3A_290, %dot_general3A_291 {dimension_numbers = #tpu.dot_dimension_numbers<[1], [0], [0], [1], [0, 0, 1, 1], [], []>, transpose_lhs_hint = false} : vector<256x64xf32>, vector<64x1024xf32>, vector<256x1024xf32> -> vector<256x1024xf32>
    %add3A_293 = arith.addf %add3A_267, %dot_general3A_292 : vector<256x1024xf32>
    %get3A_294 = arith.constant 11 : index
    %get3A_295 = arith.constant 0 : index
    %get3A_296 = arith.constant 0 : index
    %get3A_297 = vector.load %arg2[%get3A_294, %get3A_295, %get3A_296] : memref<16x256x64xf32, #tpu.memory_space<vmem>>, vector<1x256x64xf32>
    %get3A_298 = vector.shape_cast %get3A_297 : vector<1x256x64xf32> to vector<256x64xf32>
    %get3A_299 = arith.constant 11 : index
    %get3A_300 = arith.constant 0 : index
    %get3A_301 = arith.constant 0 : index
    %get3A_302 = vector.load %arg4[%get3A_299, %get3A_300, %get3A_301] : memref<16x64x1024xf32, #tpu.memory_space<vmem>>, vector<1x64x1024xf32>
    %get3A_303 = vector.shape_cast %get3A_302 : vector<1x64x1024xf32> to vector<64x1024xf32>
    %dot_general3A_304 = arith.constant dense<0.000000e+00> : vector<256x1024xf32>
    %dot_general3A_305 = tpu.matmul %get3A_298, %get3A_303, %dot_general3A_304 {dimension_numbers = #tpu.dot_dimension_numbers<[1], [0], [0], [1], [0, 0, 1, 1], [], []>, transpose_lhs_hint = false} : vector<256x64xf32>, vector<64x1024xf32>, vector<256x1024xf32> -> vector<256x1024xf32>
    %add3A_306 = arith.addf %add3A_280, %dot_general3A_305 : vector<256x1024xf32>
    %get3A_307 = arith.constant 12 : index
    %get3A_308 = arith.constant 0 : index
    %get3A_309 = arith.constant 0 : index
    %get3A_310 = vector.load %arg1[%get3A_307, %get3A_308, %get3A_309] : memref<16x256x64xf32, #tpu.memory_space<vmem>>, vector<1x256x64xf32>
    %get3A_311 = vector.shape_cast %get3A_310 : vector<1x256x64xf32> to vector<256x64xf32>
    %get3A_312 = arith.constant 12 : index
    %get3A_313 = arith.constant 0 : index
    %get3A_314 = arith.constant 0 : index
    %get3A_315 = vector.load %arg4[%get3A_312, %get3A_313, %get3A_314] : memref<16x64x1024xf32, #tpu.memory_space<vmem>>, vector<1x64x1024xf32>
    %get3A_316 = vector.shape_cast %get3A_315 : vector<1x64x1024xf32> to vector<64x1024xf32>
    %dot_general3A_317 = arith.constant dense<0.000000e+00> : vector<256x1024xf32>
    %dot_general3A_318 = tpu.matmul %get3A_311, %get3A_316, %dot_general3A_317 {dimension_numbers = #tpu.dot_dimension_numbers<[1], [0], [0], [1], [0, 0, 1, 1], [], []>, transpose_lhs_hint = false} : vector<256x64xf32>, vector<64x1024xf32>, vector<256x1024xf32> -> vector<256x1024xf32>
    %add3A_319 = arith.addf %add3A_293, %dot_general3A_318 : vector<256x1024xf32>
    %get3A_320 = arith.constant 12 : index
    %get3A_321 = arith.constant 0 : index
    %get3A_322 = arith.constant 0 : index
    %get3A_323 = vector.load %arg2[%get3A_320, %get3A_321, %get3A_322] : memref<16x256x64xf32, #tpu.memory_space<vmem>>, vector<1x256x64xf32>
    %get3A_324 = vector.shape_cast %get3A_323 : vector<1x256x64xf32> to vector<256x64xf32>
    %get3A_325 = arith.constant 12 : index
    %get3A_326 = arith.constant 0 : index
    %get3A_327 = arith.constant 0 : index
    %get3A_328 = vector.load %arg4[%get3A_325, %get3A_326, %get3A_327] : memref<16x64x1024xf32, #tpu.memory_space<vmem>>, vector<1x64x1024xf32>
    %get3A_329 = vector.shape_cast %get3A_328 : vector<1x64x1024xf32> to vector<64x1024xf32>
    %dot_general3A_330 = arith.constant dense<0.000000e+00> : vector<256x1024xf32>
    %dot_general3A_331 = tpu.matmul %get3A_324, %get3A_329, %dot_general3A_330 {dimension_numbers = #tpu.dot_dimension_numbers<[1], [0], [0], [1], [0, 0, 1, 1], [], []>, transpose_lhs_hint = false} : vector<256x64xf32>, vector<64x1024xf32>, vector<256x1024xf32> -> vector<256x1024xf32>
    %add3A_332 = arith.addf %add3A_306, %dot_general3A_331 : vector<256x1024xf32>
    %get3A_333 = arith.constant 13 : index
    %get3A_334 = arith.constant 0 : index
    %get3A_335 = arith.constant 0 : index
    %get3A_336 = vector.load %arg1[%get3A_333, %get3A_334, %get3A_335] : memref<16x256x64xf32, #tpu.memory_space<vmem>>, vector<1x256x64xf32>
    %get3A_337 = vector.shape_cast %get3A_336 : vector<1x256x64xf32> to vector<256x64xf32>
    %get3A_338 = arith.constant 13 : index
    %get3A_339 = arith.constant 0 : index
    %get3A_340 = arith.constant 0 : index
    %get3A_341 = vector.load %arg4[%get3A_338, %get3A_339, %get3A_340] : memref<16x64x1024xf32, #tpu.memory_space<vmem>>, vector<1x64x1024xf32>
    %get3A_342 = vector.shape_cast %get3A_341 : vector<1x64x1024xf32> to vector<64x1024xf32>
    %dot_general3A_343 = arith.constant dense<0.000000e+00> : vector<256x1024xf32>
    %dot_general3A_344 = tpu.matmul %get3A_337, %get3A_342, %dot_general3A_343 {dimension_numbers = #tpu.dot_dimension_numbers<[1], [0], [0], [1], [0, 0, 1, 1], [], []>, transpose_lhs_hint = false} : vector<256x64xf32>, vector<64x1024xf32>, vector<256x1024xf32> -> vector<256x1024xf32>
    %add3A_345 = arith.addf %add3A_319, %dot_general3A_344 : vector<256x1024xf32>
    %get3A_346 = arith.constant 13 : index
    %get3A_347 = arith.constant 0 : index
    %get3A_348 = arith.constant 0 : index
    %get3A_349 = vector.load %arg2[%get3A_346, %get3A_347, %get3A_348] : memref<16x256x64xf32, #tpu.memory_space<vmem>>, vector<1x256x64xf32>
    %get3A_350 = vector.shape_cast %get3A_349 : vector<1x256x64xf32> to vector<256x64xf32>
    %get3A_351 = arith.constant 13 : index
    %get3A_352 = arith.constant 0 : index
    %get3A_353 = arith.constant 0 : index
    %get3A_354 = vector.load %arg4[%get3A_351, %get3A_352, %get3A_353] : memref<16x64x1024xf32, #tpu.memory_space<vmem>>, vector<1x64x1024xf32>
    %get3A_355 = vector.shape_cast %get3A_354 : vector<1x64x1024xf32> to vector<64x1024xf32>
    %dot_general3A_356 = arith.constant dense<0.000000e+00> : vector<256x1024xf32>
    %dot_general3A_357 = tpu.matmul %get3A_350, %get3A_355, %dot_general3A_356 {dimension_numbers = #tpu.dot_dimension_numbers<[1], [0], [0], [1], [0, 0, 1, 1], [], []>, transpose_lhs_hint = false} : vector<256x64xf32>, vector<64x1024xf32>, vector<256x1024xf32> -> vector<256x1024xf32>
    %add3A_358 = arith.addf %add3A_332, %dot_general3A_357 : vector<256x1024xf32>
    %get3A_359 = arith.constant 14 : index
    %get3A_360 = arith.constant 0 : index
    %get3A_361 = arith.constant 0 : index
    %get3A_362 = vector.load %arg1[%get3A_359, %get3A_360, %get3A_361] : memref<16x256x64xf32, #tpu.memory_space<vmem>>, vector<1x256x64xf32>
    %get3A_363 = vector.shape_cast %get3A_362 : vector<1x256x64xf32> to vector<256x64xf32>
    %get3A_364 = arith.constant 14 : index
    %get3A_365 = arith.constant 0 : index
    %get3A_366 = arith.constant 0 : index
    %get3A_367 = vector.load %arg4[%get3A_364, %get3A_365, %get3A_366] : memref<16x64x1024xf32, #tpu.memory_space<vmem>>, vector<1x64x1024xf32>
    %get3A_368 = vector.shape_cast %get3A_367 : vector<1x64x1024xf32> to vector<64x1024xf32>
    %dot_general3A_369 = arith.constant dense<0.000000e+00> : vector<256x1024xf32>
    %dot_general3A_370 = tpu.matmul %get3A_363, %get3A_368, %dot_general3A_369 {dimension_numbers = #tpu.dot_dimension_numbers<[1], [0], [0], [1], [0, 0, 1, 1], [], []>, transpose_lhs_hint = false} : vector<256x64xf32>, vector<64x1024xf32>, vector<256x1024xf32> -> vector<256x1024xf32>
    %add3A_371 = arith.addf %add3A_345, %dot_general3A_370 : vector<256x1024xf32>
    %get3A_372 = arith.constant 14 : index
    %get3A_373 = arith.constant 0 : index
    %get3A_374 = arith.constant 0 : index
    %get3A_375 = vector.load %arg2[%get3A_372, %get3A_373, %get3A_374] : memref<16x256x64xf32, #tpu.memory_space<vmem>>, vector<1x256x64xf32>
    %get3A_376 = vector.shape_cast %get3A_375 : vector<1x256x64xf32> to vector<256x64xf32>
    %get3A_377 = arith.constant 14 : index
    %get3A_378 = arith.constant 0 : index
    %get3A_379 = arith.constant 0 : index
    %get3A_380 = vector.load %arg4[%get3A_377, %get3A_378, %get3A_379] : memref<16x64x1024xf32, #tpu.memory_space<vmem>>, vector<1x64x1024xf32>
    %get3A_381 = vector.shape_cast %get3A_380 : vector<1x64x1024xf32> to vector<64x1024xf32>
    %dot_general3A_382 = arith.constant dense<0.000000e+00> : vector<256x1024xf32>
    %dot_general3A_383 = tpu.matmul %get3A_376, %get3A_381, %dot_general3A_382 {dimension_numbers = #tpu.dot_dimension_numbers<[1], [0], [0], [1], [0, 0, 1, 1], [], []>, transpose_lhs_hint = false} : vector<256x64xf32>, vector<64x1024xf32>, vector<256x1024xf32> -> vector<256x1024xf32>
    %add3A_384 = arith.addf %add3A_358, %dot_general3A_383 : vector<256x1024xf32>
    %get3A_385 = arith.constant 15 : index
    %get3A_386 = arith.constant 0 : index
    %get3A_387 = arith.constant 0 : index
    %get3A_388 = vector.load %arg1[%get3A_385, %get3A_386, %get3A_387] : memref<16x256x64xf32, #tpu.memory_space<vmem>>, vector<1x256x64xf32>
    %get3A_389 = vector.shape_cast %get3A_388 : vector<1x256x64xf32> to vector<256x64xf32>
    %get3A_390 = arith.constant 15 : index
    %get3A_391 = arith.constant 0 : index
    %get3A_392 = arith.constant 0 : index
    %get3A_393 = vector.load %arg4[%get3A_390, %get3A_391, %get3A_392] : memref<16x64x1024xf32, #tpu.memory_space<vmem>>, vector<1x64x1024xf32>
    %get3A_394 = vector.shape_cast %get3A_393 : vector<1x64x1024xf32> to vector<64x1024xf32>
    %dot_general3A_395 = arith.constant dense<0.000000e+00> : vector<256x1024xf32>
    %dot_general3A_396 = tpu.matmul %get3A_389, %get3A_394, %dot_general3A_395 {dimension_numbers = #tpu.dot_dimension_numbers<[1], [0], [0], [1], [0, 0, 1, 1], [], []>, transpose_lhs_hint = false} : vector<256x64xf32>, vector<64x1024xf32>, vector<256x1024xf32> -> vector<256x1024xf32>
    %add3A_397 = arith.addf %add3A_371, %dot_general3A_396 : vector<256x1024xf32>
    %get3A_398 = arith.constant 15 : index
    %get3A_399 = arith.constant 0 : index
    %get3A_400 = arith.constant 0 : index
    %get3A_401 = vector.load %arg2[%get3A_398, %get3A_399, %get3A_400] : memref<16x256x64xf32, #tpu.memory_space<vmem>>, vector<1x256x64xf32>
    %get3A_402 = vector.shape_cast %get3A_401 : vector<1x256x64xf32> to vector<256x64xf32>
    %get3A_403 = arith.constant 15 : index
    %get3A_404 = arith.constant 0 : index
    %get3A_405 = arith.constant 0 : index
    %get3A_406 = vector.load %arg4[%get3A_403, %get3A_404, %get3A_405] : memref<16x64x1024xf32, #tpu.memory_space<vmem>>, vector<1x64x1024xf32>
    %get3A_407 = vector.shape_cast %get3A_406 : vector<1x64x1024xf32> to vector<64x1024xf32>
    %dot_general3A_408 = arith.constant dense<0.000000e+00> : vector<256x1024xf32>
    %dot_general3A_409 = tpu.matmul %get3A_402, %get3A_407, %dot_general3A_408 {dimension_numbers = #tpu.dot_dimension_numbers<[1], [0], [0], [1], [0, 0, 1, 1], [], []>, transpose_lhs_hint = false} : vector<256x64xf32>, vector<64x1024xf32>, vector<256x1024xf32> -> vector<256x1024xf32>
    %add3A_410 = arith.addf %add3A_384, %dot_general3A_409 : vector<256x1024xf32>
    %get3A_411 = arith.constant 0 : index
    %get3A_412 = arith.constant 0 : index
    %get3A_413 = vector.load %arg3[%get3A_411, %get3A_412] : memref<256x1024xf32, #tpu.memory_space<vmem>>, vector<256x1024xf32>
    %logistic3A = arith.negf %get3A_413 : vector<256x1024xf32>
    %logistic3A_414 = math.exp %logistic3A : vector<256x1024xf32>
    %logistic3A_415 = arith.constant 1.000000e+00 : f32
    %logistic3A_416 = vector.broadcast %logistic3A_415 : f32 to vector<256x1024xf32>
    %logistic3A_417 = arith.addf %logistic3A_416, %logistic3A_414 : vector<256x1024xf32>
    %logistic3A_418 = arith.divf %logistic3A_416, %logistic3A_417 : vector<256x1024xf32>
    %sub3A = arith.subf %add3A_397, %add3A_410 : vector<256x1024xf32>
    %mul3A = arith.mulf %logistic3A_418, %sub3A : vector<256x1024xf32>
    %add3A_419 = arith.addf %mul3A, %add3A_410 : vector<256x1024xf32>
    %get3A_420 = arith.constant 0 : index
    %get3A_421 = vector.load %arg5[%get3A_420] : memref<1024xf32, #tpu.memory_space<vmem>>, vector<1024xf32>
    %broadcast_in_dim3A = vector.shape_cast %get3A_421 : vector<1024xf32> to vector<1x1024xf32>
    %add3A_422 = vector.broadcast %broadcast_in_dim3A : vector<1x1024xf32> to vector<256x1024xf32>
    %add3A_423 = arith.addf %add3A_419, %add3A_422 : vector<256x1024xf32>
    %swap3A = arith.constant 0 : index
    %swap3A_424 = arith.constant 0 : index
    %swap3A_425 = vector.load %arg6[%swap3A, %swap3A_424] : memref<256x1024xf32, #tpu.memory_space<vmem>>, vector<256x1024xf32>
    tpu.vector_store %arg6[%swap3A, %swap3A_424], %add3A_423 {strides = array<i32>} : memref<256x1024xf32, #tpu.memory_space<vmem>>, vector<256x1024xf32>,
    return
  }
  func.func @transform_0(%arg0: i32) -> (i32, i32, i32) {
    %c0_i32 = arith.constant 0 : i32
    %c0_i32_0 = arith.constant 0 : i32
    %c0_i32_1 = arith.constant 0 : i32
    return %c0_i32, %arg0, %c0_i32_0 : i32, i32, i32
  }
  func.func @transform_1(%arg0: i32) -> (i32, i32, i32) {
    %c0_i32 = arith.constant 0 : i32
    %c0_i32_0 = arith.constant 0 : i32
    %c0_i32_1 = arith.constant 0 : i32
    return %c0_i32, %arg0, %c0_i32_0 : i32, i32, i32
  }
  func.func @transform_2(%arg0: i32) -> (i32, i32) {
    %c0_i32 = arith.constant 0 : i32
    %c0_i32_0 = arith.constant 0 : i32
    return %arg0, %c0_i32 : i32, i32
  }
  func.func @transform_3(%arg0: i32) -> (i32, i32, i32) {
    %c0_i32 = arith.constant 0 : i32
    %c0_i32_0 = arith.constant 0 : i32
    %c0_i32_1 = arith.constant 0 : i32
    %c0_i32_2 = arith.constant 0 : i32
    return %c0_i32, %c0_i32_0, %c0_i32_1 : i32, i32, i32
  }
  func.func @transform_4(%arg0: i32) -> i32 {
    %c0_i32 = arith.constant 0 : i32
    %c0_i32_0 = arith.constant 0 : i32
    return %c0_i32 : i32
  }
  func.func @transform_5(%arg0: i32) -> (i32, i32) {
    %c0_i32 = arith.constant 0 : i32
    %c0_i32_0 = arith.constant 0 : i32
    return %arg0, %c0_i32 : i32, i32
  }
}

</mosaic_0001>

<sc_bundles>
// kernel: kernel.7.cloned.1.call-start
scs
__scs_entry_jumppad:
0x0: {  	(pc) =	sbr.rel $0x88, $3  }
0x1: {  	(tag) =	ssettag $0x0;
	lr =	simm.s32 $0x1  }
0x2: {  	[smem:$0x3F9A] =	sst lr;
	_ =	strace $0xD0000000  }
0x3: {  	_ = 	snop  }
0x4: {  	_ = 	snop  }
0x5: {  	_ = 	snop  }
0x6: {  	_ = 	snop  }
0x7: {  	_ = 	snop  }
__scs_overlays_trampoline_lowered:
0x8: {  	[smem:$0x3FA9] =	sst s0  }
0x9: {  	[smem:$0x3FAA] =	sst s1  }
0xa: {  	[smem:$0x3FAB] =	sst s2  }
0xb: {  	[smem:$0x3FAC] =	sst s3  }
0xc: {  	[smem:$0x3FAD] =	sst s4  }
0xd: {  	[smem:$0x3FAE] =	sst s5  }
0xe: {  	[smem:$0x3FAF] =	sst s6  }
0xf: {  	[smem:$0x3FB0] =	sst s7  }
0x10: {  	[smem:$0x3FB1] =	sst s8  }
0x11: {  	[smem:$0x3FB2] =	sst s9;
	s0 =	simm.s32 @!p0 $0x0  }
0x12: {  	s1 =	sld [smem:$0x3F98];
	s0 =	simm.s32 @p0 $0x1  }
0x13: {  	[smem:$0x3FB3] =	sst s0;
	s0 =	simm.s32 @!p1 $0x0  }
0x14: {  	s2 =	sld [smem:$0x3F97];
	s0 =	simm.s32 @p1 $0x1  }
0x15: {  	[smem:$0x3FB4] =	sst s0;
	s0 =	simm.s32 @!p2 $0x0  }
0x16: {  	s3 =	sld [smem:$0x3FDB];
	s0 =	simm.s32 @p2 $0x1  }
0x17: {  	s4 =	simm.s32 $0x1BF5;
	[smem:$0x3FB6] =	sst s0  }
0x18: {  	s0 =	sld [smem:$0x3F99];
	_ =	swait.ge [sflag:s4], $0x0  }
0x19: {  	s7 =	sld [smem:$0x3F9A]  }
0x1a: {  	s8 =	sadd.s32 $0xFFFFE003, lr  }
0x1b: {  	s9 =	sadd.s32 $0xFFFFFEF7, lr;
	s5 =	simm.s32 $0xFFFFFFFF;
	p2 =	slt.u32 s8, $0xFFFFF086  }
0x1c: {  	p1 =	slt.u32 s9, $0xF7A;
	s5 =	simm.s32 @!p2 $0x0  }
0x1d: {  	s5 =	simm.s32 @p1 $0x1;
	p0 =	seq.s32 s7, s2  }
0x1e: {  	s7 =	smul.u32 @!p0 $0xF7A, s2;
	p2 =	seq.s32 @!p0 s5, $0x0  }
0x1f: {  	s9 =	smul.u32 $0xF7A, s1;
	s8 =	simm.s32 @!p0 $0x1BF5;
	p2 =	por !p2, p0  }
0x20: {  	[sflag:s8] =	ssyncset.s32 @!p0 $0xFFFFF086;
	s6 =	sadd.s32 @!p0 s3, s7;
	s7 =	simm.s32 @!p0 $0x108  }
0x21: {  	s3 =	sadd.s32 s3, s9;
	s6 =	sadd.s32 @!p0 $0x88, s6;
	s7 =	simm.s32 @p2 $0x1082  }
0x22: {  	[simem:s7], [sflag:s8] =	dma.local @!p0 [hbm:s6], $0xF7A  }
0x23: {  	s9 =	sor.u32 $0xD0000000, s2;
	s6 =	simm.s32 $0x108;
	_ =	swait.ge @!p0 [sflag:s8], $0x0  }
0x24: {  	s3 =	sadd.s32 $0x88, s3;
	s6 =	simm.s32 @!p1 $0x1082;
	[sflag:s4] =	ssyncset.s32 $0xFFFFF086  }
0x25: {  	[simem:s6], [sflag:s4] =	dma.local [hbm:s3], $0xF7A  }
0x26: {  	[smem:$0x3F9A] =	sst s1;
	(tag) =	ssettag s2;
	_ =	strace s9  }
0x27: {  	s1 =	sld [smem:$0x3FAA]  }
0x28: {  	s2 =	sld [smem:$0x3FAB]  }
0x29: {  	s4 =	sld [smem:$0x3FAD]  }
0x2a: {  	p0 =	seq.s32 s5, $0x0;
	s5 =	sld [smem:$0x3FAE]  }
0x2b: {  	s6 =	sld [smem:$0x3FAF]  }
0x2c: {  	s7 =	sld [smem:$0x3FB0]  }
0x2d: {  	s3 =	simm.s32 $0x108;
	s8 =	sld [smem:$0x3FB1]  }
0x2e: {  	s3 =	simm.s32 @!p0 $0x1082;
	s9 =	sld [smem:$0x3FB2]  }
0x2f: {  	lr =	sadd.s32 s0, s3;
	s0 =	sld [smem:$0x3FA9]  }
0x30: {  	s3 =	sld [smem:$0x3FAC]  }
0x31: {  	[smem:$0x3FB5] =	sst s10  }
0x32: {  	s10 =	sld [smem:$0x3FB3];
	_ =	sdelay $0x3  }
0x33: {  	p0 =	seq.s32 s10, $0x1;
	s10 =	sld [smem:$0x3FB5];
	_ =	sdelay $0x3  }
0x34: {  	[smem:$0x3FB5] =	sst s10  }
0x35: {  	s10 =	sld [smem:$0x3FB4];
	_ =	sdelay $0x3  }
0x36: {  	p1 =	seq.s32 s10, $0x1;
	s10 =	sld [smem:$0x3FB5];
	_ =	sdelay $0x3  }
0x37: {  	[smem:$0x3FB5] =	sst s10  }
0x38: {  	s10 =	sld [smem:$0x3FB6]  }
0x39: {  	_ = 	snop;
	(pc) =	sbr.ind lr, $3  }
0x3a: {  	_ = 	snop  }
0x3b: {  	_ = 	snop  }
0x3c: {  	p2 =	seq.s32 s10, $0x1;
	s10 =	sld [smem:$0x3FB5]  }
0x3d: {  	_ =	shalt  }
0x3e: {  	_ =	shalt  }
0x3f: {  	_ =	shalt  }
0x40: {  	_ =	shalt  }
0x41: {  	_ =	shalt  }
0x42: {  	_ =	shalt  }
0x43: {  	_ =	shalt  }
0x44: {  	_ =	shalt  }
0x45: {  	_ =	shalt  }
0x46: {  	_ =	shalt  }
0x47: {  	_ =	shalt  }
0x48: {  	_ =	shalt  }
0x49: {  	_ =	shalt  }
0x4a: {  	_ =	shalt  }
0x4b: {  	_ =	shalt  }
0x4c: {  	_ =	shalt  }
0x4d: {  	_ =	shalt  }
0x4e: {  	_ =	shalt  }
0x4f: {  	_ =	shalt  }
0x50: {  	_ =	shalt  }
0x51: {  	_ =	shalt  }
0x52: {  	_ =	shalt  }
0x53: {  	_ =	shalt  }
0x54: {  	_ =	shalt  }
0x55: {  	_ =	shalt  }
0x56: {  	_ =	shalt  }
0x57: {  	_ =	shalt  }
0x58: {  	_ =	shalt  }
0x59: {  	_ =	shalt  }
0x5a: {  	_ =	shalt  }
0x5b: {  	_ =	shalt  }
0x5c: {  	_ =	shalt  }
0x5d: {  	_ =	shalt  }
0x5e: {  	_ =	shalt  }
0x5f: {  	_ =	shalt  }
0x60: {  	_ =	shalt  }
0x61: {  	_ =	shalt  }
0x62: {  	_ =	shalt  }
0x63: {  	_ =	shalt  }
0x64: {  	_ =	shalt  }
0x65: {  	_ =	shalt  }
0x66: {  	_ =	shalt  }
0x67: {  	_ =	shalt  }
0x68: {  	_ =	shalt  }
0x69: {  	_ =	shalt  }
0x6a: {  	_ =	shalt  }
0x6b: {  	_ =	shalt  }
0x6c: {  	_ =	shalt  }
0x6d: {  	_ =	shalt  }
0x6e: {  	_ =	shalt  }
0x6f: {  	_ =	shalt  }
0x70: {  	_ =	shalt  }
0x71: {  	_ =	shalt  }
0x72: {  	_ =	shalt  }
0x73: {  	_ =	shalt  }
0x74: {  	_ =	shalt  }
0x75: {  	_ =	shalt  }
0x76: {  	_ =	shalt  }
0x77: {  	_ =	shalt  }
0x78: {  	_ =	shalt  }
0x79: {  	_ =	shalt  }
0x7a: {  	_ =	shalt  }
0x7b: {  	_ =	shalt  }
0x7c: {  	_ =	shalt  }
0x7d: {  	_ =	shalt  }
0x7e: {  	_ =	shalt  }
0x7f: {  	_ =	shalt  }
0x80: {  	_ =	shalt  }
0x81: {  	_ =	shalt  }
0x82: {  	_ =	shalt  }
0x83: {  	_ =	shalt  }
0x84: {  	_ =	shalt  }
0x85: {  	_ =	shalt  }
0x86: {  	_ =	shalt  }
0x87: {  	_ =	shalt  }
.Lfunc_end0:
.L_simem_size_0:
called_computation_lowered:
.L_overlay_start_0:
0x88: {  	s2 =	sld [smem:$0x3FD9]  }
0x89: {  	s3 =	sld [smem:$0x3FFE];
	_ =	sdelay $0x1  }
0x8a: {  	s1 =	srdreg.scid  }
0x8b: {  	s0 =	sand.u32 $0x1, s1  }
0x8c: {  	s17 =	sshll.u32 s0, $0xA;
	s2 =	sadd.s32 s3, s2  }
0x8d: {  	s2 =	sadd.s32 s2, s17  }
0x8e: {  	[smem:$0x3FC1] =	sst s2  }
0x8f: {  	_ = 	snop  }
0x90: {  	s2 =	sld [smem:$0x3FD0];
	(tm) =	ssettm $0x1  }
0x91: {  	s18 =	sld [smem:$0x3FFB];
	_ =	sdelay $0x3  }
0x92: {  	_ =	strace s18  }
0x93: {  	s3 =	sld [smem:$0x3FFC];
	_ =	sdelay $0x3  }
0x94: {  	_ =	strace s3  }
0x95: {  	s3 =	sld [smem:$0x3FFD];
	_ =	sdelay $0x3  }
0x96: {  	_ =	strace s3  }
0x97: {  	_ =	strace $0x8FFFFFFF  }
0x98: {  	s19 =	sld [smem:$0x3FDB];
	_ =	sdelay $0x1  }
0x99: {  	s4 =	simm.s32 $_scs_section_size  }
0x9a: {  	s5 =	simm.s32 $_size__tile_overlayer_lowered;
	s6 =	simm.s32 $_tile_overlayer_lowered  }
0x9b: {  	s22 =	simm.s32 $0x1BFF;
	s21 =	sshll.u32 s6, $0x1;
	s3 =	sadd.s32 s4, s19  }
0x9c: {  	s7 =	simm.s32 $0x0;
	s20 =	sshll.u32 s5, $0x1;
	s5 =	sadd.s32 s21, s3  }
0x9d: {  	[timem:s7], [sflag:s22] =	dma.local [hbm:s5], s20  }
0x9e: {  	_ =	swait.ge [sflag:s22], s20  }
0x9f: {  	s4 =	ssub.s32 $0x0, s20;
	[sflag:s22] =	ssyncset.done $0x0  }
0xa0: {  	[sflag:s22] =	ssyncadd.s32 s4;
	_ =	sdelay $0x1  }
0xa1: {  	s23 =	simm.s32 $0x1B8B  }
0xa2: {  	_ =	swait.ge [sflag:s23], $0x1  }
0xa3: {  	[sflag:s23] =	ssyncset.done $0x0  }
0xa4: {  	s25 =	simm.s32 $0x1B8E;
	s24 =	sld [smem:$0x3FFE];
	[sflag:s23] =	ssyncadd.s32 $0xFFFFFFFF  }
0xa5: {  	s26 =	simm.s32 $execute0_lowered;
	[smem:$0x3FD2] =	sst s25  }
0xa6: {  	s5 =	sshll.u32 s26, $0x1;
	_ =	strace $0x80000046;
	[dreg:$0x1] =	wrdreg $0xFFFFFFFF  }
0xa7: {  	s28 =	simm.s32 $_size_execute0_lowered;
	s3 =	sadd.s32 s3, s5;
	[dreg:$0x0] =	wrdreg $0x0  }
0xa8: {  	s5 =	sshll.u32 s28, $0x1;
	[dreg:$0x2] =	wrdreg s3  }
0xa9: {  	[dreg:$0x3] =	wrdreg s5  }
0xaa: {  	[dreg:$0x4] =	wrdreg $0xC0  }
0xab: {  	_ =	task [dreg:s7], $0x5FFFF  }
0xac: {  	[dreg:$0x1] =	wrdreg $0xFFFFFFFF  }
0xad: {  	[dreg:$0x0] =	wrdreg $0x60  }
0xae: {  	[dreg:$0x2] =	wrdreg s24  }
0xaf: {  	[dreg:$0x3] =	wrdreg s2  }
0xb0: {  	[dreg:$0x4] =	wrdreg $0x9  }
0xb1: {  	_ =	task.clear_ibuf [dreg:s7], $0x5FFFF;
	_ =	strace $0x90000046  }
0xb2: {  	s29 =	simm.s32 $0x9;
	_ =	strace $0x80000048  }
0xb3: {  	_ =	swait.ge [sflag:s29], $0x1  }
0xb4: {  	[sflag:s29] =	ssyncadd.s32 $0xFFFFFFFF  }
0xb5: {  	_ =	strace $0x90000048  }
0xb6: {  	_ =	sfence  }
0xb7: {  	s30 =	sld [smem:$0x0];
	_ =	sdelay $0x2  }
0xb8: {  	s31 =	sshll.u32 s1, $0xD;
	s1 =	sshrl.u32 s1, $0x2  }
0xb9: {  	s3 =	sand.u32 $0x4000, s31;
	s1 =	sadd.s32 s1, s30  }
0xba: {  	s0 =	sor.u32 s3, s0;
	s1 =	sshll.u32 s1, $0x11  }
0xbb: {  	s0 =	sor.u32 s1, s0  }
0xbc: {  	s0 =	sadd.s32 $0x8F2B, s0  }
0xbd: {  	[sflag:s0] =	ssyncadd.remote.s32 $0x1  }
0xbe: {  	_ =	sfence.sel $0xFFFF  }
0xbf: {  	[dreg:$0x0] =	wrdreg $0xFFFFFFFF;
	(pc) =	sbr.abs _section_cstart, $3  }
0xc0: {  	[dreg:$0x1] =	wrdreg $0xFFFFFFFF  }
0xc1: {  	_ =	task.clear_ibuf [dreg:s7], $0x2FFFF;
	_ =	strace $0x9FFFFFFF  }
0xc2: {  	(tm) =	ssettm $0x7FFFFFFF  }
0xc3: {  	_ =	shalt  }
tec
execute0_lowered:
.L_overlay_start_1:
0x0: {  	(tag) =	ssettag $0x1  }
0x1: {  	s1 =	srdreg.scid  }
0x2: {  	s8 =	rddreg [dreg:$0x0];
	s0 =	stileid.u32;
	s10 =	sand.u32 $0x1, s1  }
0x3: {  	s9 =	rddreg [dreg:$0x1];
	s3 =	sshll.u32 s0, $0xB;
	s4 =	sshll.u32 s10, $0xA  }
0x4: {  	s2 =	simm.s32 $0x0;
	s1 =	rddreg [dreg:$0x2];
	s11 =	sor.u32 s4, s3  }
0x5: {  	[smem:$0x7FF] =	sst s2;
	s3 =	sshrl.u32 s11, $0x3  }
0x6: {  	_ =	strace $0x80000047;
	s4 =	sadd.s32 s9, s3;
	s3 =	simm.s32 $0x2  }
0x7: {  	[tilespmem:s2], [sflag:$0x2] =	stream.linear.gather [hbm4b:s4+s2], $0x200, $0x38;
	[tilespmem:$0x10200] =	vst v63  }
0x8: {  	_ =	swait.ge [sflag:s3], $0x200  }
0x9: {  	s6 =	simm.s32 $0x200;
	[sflag:s3] =	ssyncset.done $0x0  }
0xa: {  	s7 =	simm.s32 $0x1;
	s5 =	sadd.s32 $0x81200, s8;
	[sflag:s3] =	ssyncadd.s32 $0xFFFFFE00  }
0xb: {  	[tilespmem:s6], [sflag:$0x1] =	stream.indirect.gather [hbm4b:s5+s6], $0x80, s2, s6, $0xb8;
	[tilespmem:$0x10200] =	vst v63  }
0xc: {  	_ =	swait.ge [sflag:s7], $0x10000  }
0xd: {  	s12 =	sadd.s32 $0x189200, s8;
	s28 =	sshll.u32 s11, $0x4;
	[sflag:s7] =	ssyncset.done $0x0  }
0xe: {  	s8 =	sadd.s32 s12, s28;
	[sflag:s7] =	ssyncadd.s32 $0xFFFF0000  }
0xf: {  	[hbm4b:s8+s2] =	stream.linear.scatter [tilespmem:s6], [sflag:$0x2], $0x10000, $0x38;
	[tilespmem:$0x10200] =	vst v63  }
0x10: {  	s11 =	sor.u32 $0x200, s11;
	_ =	swait.ge [sflag:s3], $0x10000  }
0x11: {  	s13 =	sshrl.u32 s11, $0x3;
	[sflag:s3] =	ssyncset.done $0x0  }
0x12: {  	s10 =	ssub.s32 $0x2, s10;
	s9 =	sadd.s32 s9, s13;
	[sflag:s3] =	ssyncadd.s32 $0xFFFF0000  }
0x13: {  	[tilespmem:s2], [sflag:$0x2] =	stream.linear.gather [hbm4b:s9+s2], $0x200, $0x38;
	[tilespmem:$0x10200] =	vst v63  }
0x14: {  	s29 =	sshrl.u32 s10, $0x1;
	_ =	swait.ge [sflag:s3], $0x200  }
0x15: {  	s13 =	ssub.s32 s10, s29;
	[sflag:s3] =	ssyncset.done $0x0  }
0x16: {  	s31 =	smax.u32 s13, $0x1;
	[sflag:s3] =	ssyncadd.s32 $0xFFFFFE00  }
0x17: {  	[tilespmem:s6], [sflag:$0x1] =	stream.indirect.gather [hbm4b:s5+s6], $0x80, s2, s6, $0xb8;
	[tilespmem:$0x10200] =	vst v63  }
0x18: {  	p0 =	sne.s32 s31, $0x1;
	_ =	swait.ge [sflag:s7], $0x10000  }
.Ltmp0:
0x19: {  	s30 =	sshll.u32 s11, $0x4;
	[sflag:s7] =	ssyncset.done $0x0;
	(pc) =	sbr.rel @!p0 .LBB2_2-.Ltmp0, $4  }
0x1a: {  	s10 =	sadd.s32 s12, s30;
	[sflag:s7] =	ssyncadd.s32 $0xFFFF0000  }
0x1b: {  	[hbm4b:s10+s2] =	stream.linear.scatter [tilespmem:s6], [sflag:$0x2], $0x10000, $0x38;
	[tilespmem:$0x10200] =	vst v63  }
0x1c: {  	_ =	swait.ge [sflag:s3], $0x10000  }
0x1d: {  	s11 =	sadd.s32 $0xFFFFFFFF, s31;
	[sflag:s3] =	ssyncset.done $0x0  }
.LBB2_1:
0x1e: {  	p0 =	sne.s32 s11, $0x1;
	s11 =	sadd.s32 $0xFFFFFFFF, s11;
	[sflag:s3] =	ssyncadd.s32 $0xFFFF0000  }
0x1f: {  	[tilespmem:s2], [sflag:$0x2] =	stream.linear.gather [hbm4b:s4+s2], $0x200, $0x38;
	[tilespmem:$0x10200] =	vst v63  }
0x20: {  	_ =	swait.ge [sflag:s3], $0x200  }
0x21: {  	[sflag:s3] =	ssyncset.done $0x0  }
0x22: {  	[sflag:s3] =	ssyncadd.s32 $0xFFFFFE00  }
0x23: {  	[tilespmem:s6], [sflag:$0x1] =	stream.indirect.gather [hbm4b:s5+s6], $0x80, s2, s6, $0xb8;
	[tilespmem:$0x10200] =	vst v63  }
0x24: {  	_ =	swait.ge [sflag:s7], $0x10000  }
0x25: {  	[sflag:s7] =	ssyncset.done $0x0  }
0x26: {  	[sflag:s7] =	ssyncadd.s32 $0xFFFF0000  }
0x27: {  	[hbm4b:s8+s2] =	stream.linear.scatter [tilespmem:s6], [sflag:$0x2], $0x10000, $0x38;
	[tilespmem:$0x10200] =	vst v63  }
0x28: {  	_ =	swait.ge [sflag:s3], $0x10000  }
0x29: {  	[sflag:s3] =	ssyncset.done $0x0  }
0x2a: {  	[sflag:s3] =	ssyncadd.s32 $0xFFFF0000  }
0x2b: {  	[tilespmem:s2], [sflag:$0x2] =	stream.linear.gather [hbm4b:s9+s2], $0x200, $0x38;
	[tilespmem:$0x10200] =	vst v63  }
0x2c: {  	_ =	swait.ge [sflag:s3], $0x200  }
0x2d: {  	[sflag:s3] =	ssyncset.done $0x0  }
0x2e: {  	[sflag:s3] =	ssyncadd.s32 $0xFFFFFE00  }
0x2f: {  	[tilespmem:s6], [sflag:$0x1] =	stream.indirect.gather [hbm4b:s5+s6], $0x80, s2, s6, $0xb8;
	[tilespmem:$0x10200] =	vst v63  }
0x30: {  	_ =	swait.ge [sflag:s7], $0x10000  }
.Ltmp1:
0x31: {  	[sflag:s7] =	ssyncset.done $0x0;
	(pc) =	sbr.rel @p0 .LBB2_1-.Ltmp1, $4  }
0x32: {  	[sflag:s7] =	ssyncadd.s32 $0xFFFF0000  }
0x33: {  	[hbm4b:s10+s2] =	stream.linear.scatter [tilespmem:s6], [sflag:$0x2], $0x10000, $0x38;
	[tilespmem:$0x10200] =	vst v63  }
0x34: {  	_ =	swait.ge [sflag:s3], $0x10000  }
0x35: {  	[sflag:s3] =	ssyncset.done $0x0  }
.LBB2_2:
0x36: {  	[sflag:s3] =	ssyncadd.s32 $0xFFFF0000  }
0x37: {  	_ =	sfence.sel $0x180000  }
0x38: {  	[bflag:$0x0] =	sbarrier.arrive $0xFFFF  }
0x39: {  	p0 =	sne.s32 s0, $0x0;
	_ =	strace $0x90000047  }
0x3a: {  	s0 =	sadd.s32 @!p0 $0x100000, s1;
	[bflag:$0x2] =	sbarrier.arrive $0xFFFF  }
0x3b: {  	[sflag:s0] =	ssyncadd.tile.s32 @!p0 $0x1;
	_ =	shalt  }
.Lfunc_end2:
_tile_overlayer_lowered:
.L_overlay_start_2:
0x3c: {  	(tag) =	ssettag $0x2  }
0x3d: {  	s0 =	rddreg [dreg:$0x0];
	s2 =	stileid.u32  }
0x3e: {  	s1 =	rddreg [dreg:$0x1];
	p0 =	sne.s32 s2, $0x0  }
0x3f: {  	s3 =	rddreg [dreg:$0x2];
	[bflag:$0x3] =	sbarrier.arrive $0xFFFF;
	s2 =	simm.s32 @!p0 $0x1C02  }
0x40: {  	[timem:s3], [sflag:s2] =	dma.local @!p0 [hbm:s0], s1  }
0x41: {  	s0 =	simm.s32 @!p0 $0x2  }
0x42: {  	_ =	swait.ge @!p0 [sflag:s0], s1  }
0x43: {  	s1 =	ssub.s32 @!p0 $0x0, s1;
	[sflag:s0] =	ssyncset.done @!p0 $0x0  }
0x44: {  	[sflag:s0] =	ssyncadd.s32 @!p0 s1  }
0x45: {  	[bflag:$0x3] =	sbarrier.arrive $0xFFFF  }
0x46: {  	_ =	shalt  }

</sc_bundles>
